<compile_context>
chip_gen: v7x
topology: tpu7x:2x2x1
jax: 0.10.2.dev20260603
libtpu: 0.0.44.dev20260713+nightly
codegen_flags: <defaults>
</compile_context>

<pallas_src>
import jax
import jax.numpy as jnp
from jax import lax
from jax.experimental import pallas as pl
from jax.experimental.pallas import tpu as pltpu
from jax.experimental.pallas import tpu_sc as plsc

_NC, _NS = 2, 16
_NW = _NC * _NS

_G = 16384
_E = 26
_D = 32
_V = 1000000
_GPW = _G // _NW
_EH = _E // 2
_LH = 64
_CROWS = _EH * _LH
_NCHUNK = 16


_TR = 1600
_TNCH = _V // _TR


def _detile_body(embt_hbm, tflat_hbm, inb, outb, sem_o):
    wid = lax.axis_index("s") * _NC + lax.axis_index("c")
    iota = lax.iota(jnp.int32, 16)

    def drain(cid):
        pltpu.make_async_copy(
            outb, tflat_hbm.at[pl.ds(cid * _TR * _D, _TR * _D)], sem_o).wait()

    @pl.loop(0, (_TNCH + _NW - 1) // _NW)
    def _k(k):
        cid = k * _NW + wid

        @pl.when(cid < _TNCH)
        def _():
            pltpu.sync_copy(embt_hbm.at[:, pl.ds(cid * _TR, _TR)], inb)

            @pl.when(k > 0)
            def _():
                drain(cid - _NW)

            @plsc.parallel_loop(0, _TR, unroll=8)
            def _t(r):
                colr = jnp.full((16,), r, jnp.int32)
                for half in range(2):
                    v = plsc.load_gather(inb, [half * 16 + iota, colr])
                    outb[pl.ds(r * _D + half * 16, 16)] = v

            pltpu.async_copy(
                outb, tflat_hbm.at[pl.ds(cid * _TR * _D, _TR * _D)], sem_o)

    drain(wid + ((_TNCH - 1 - wid) // _NW) * _NW)


def _chunk_coords(c):
    tc_l = c >> 2
    e0 = ((c >> 1) & 1) * _EH
    l0 = (c & 1) * _LH
    return tc_l, e0, l0


def _gather_body(idx_hbm, table_hbm, out_hbm,
                 idx_blk, idx_list, gbuf, out_stage, sem_g, sem_w):
    wid = lax.axis_index("s") * _NC + lax.axis_index("c")
    g0 = wid * _GPW
    iota = lax.iota(jnp.int32, 16)

    pltpu.sync_copy(idx_hbm.at[pl.ds(g0, _GPW), :], idx_blk)

    def build_idx(c, b):
        tc_l, e0, l0 = _chunk_coords(c)

        @plsc.parallel_loop(0, _EH, unroll=4)
        def _b(e_l):
            col = jnp.full((16,), e0 + e_l, jnp.int32)
            for lb in range(_LH // 16):
                rows = tc_l * 128 + l0 + lb * 16 + iota
                v = plsc.load_gather(idx_blk, [rows, col])
                idx_list[b][pl.ds(e_l * _LH + lb * 16, 16)] = v

    def start_gather(c, b):
        pltpu.async_copy(table_hbm.at[idx_list[b]], gbuf[b], sem_g[b])

    def wait_gather(b):
        pltpu.make_async_copy(table_hbm.at[idx_list[b]], gbuf[b],
                              sem_g[b]).wait()

    def transpose(b):
        @plsc.parallel_loop(0, _EH * _D, unroll=8)
        def _t(q):
            e_l = q >> 5
            f = q & 31
            colf = jnp.full((16,), f, jnp.int32)
            for lb in range(_LH // 16):
                rows = e_l * _LH + lb * 16 + iota
                v = plsc.load_gather(gbuf[b], [rows, colf])
                out_stage[b][e_l, f >> 3, 0, f & 7, pl.ds(lb * 16, 16)] = v

    def fire_writes(c, b):
        tc_l, e0, l0 = _chunk_coords(c)

        @pl.loop(0, _EH)
        def _w(e_l):
            pltpu.async_copy(
                out_stage[b].at[pl.ds(e_l, 1)],
                out_hbm.at[pl.ds(e0 + e_l, 1), :,
                           pl.ds(wid * 4 + tc_l, 1), :, pl.ds(l0, _LH)],
                sem_w[b])

    def drain_writes(c, b):
        tc_l, e0, l0 = _chunk_coords(c)

        @pl.loop(0, _EH)
        def _d(e_l):
            pltpu.make_async_copy(
                out_stage[b].at[pl.ds(e_l, 1)],
                out_hbm.at[pl.ds(e0 + e_l, 1), :,
                           pl.ds(wid * 4 + tc_l, 1), :, pl.ds(l0, _LH)],
                sem_w[b]).wait()

    build_idx(0, 0)
    start_gather(0, 0)

    @pl.loop(0, _NCHUNK, step=2)
    def _steps(c):
        for b in (0, 1):
            cc = c + b
            nxt = cc + 1
            o = b ^ 1

            @pl.when(nxt < _NCHUNK)
            def _():
                build_idx(nxt, o)

            wait_gather(b)

            @pl.when(nxt < _NCHUNK)
            def _():
                @pl.when(cc > 0)
                def _():
                    drain_writes(cc - 1, o)
                start_gather(nxt, o)

            transpose(b)
            fire_writes(cc, b)

    drain_writes(_NCHUNK - 2, 0)
    drain_writes(_NCHUNK - 1, 1)


@jax.jit
def kernel(indices, embed):
    mesh = plsc.VectorSubcoreMesh(core_axis_name="c", subcore_axis_name="s")
    tflat = pl.kernel(
        _detile_body,
        out_type=jax.ShapeDtypeStruct((_V * _D,), jnp.float32),
        mesh=mesh,
        scratch_types=[
            pltpu.VMEM((_D, _TR), jnp.float32),
            pltpu.VMEM((_TR * _D,), jnp.float32),
            pltpu.SemaphoreType.DMA,
        ],
        compiler_params=pltpu.CompilerParams(use_tc_tiling_on_sc=False,
                                             needs_layout_passes=False),
    )(embed.T)
    table = tflat.reshape(_V, _D)
    out5 = pl.kernel(
        _gather_body,
        out_type=jax.ShapeDtypeStruct((_E, _D // 8, _G // 128, 8, 128),
                                      jnp.float32),
        mesh=mesh,
        scratch_types=[
            pltpu.VMEM((_GPW, _E), jnp.int32),
            [pltpu.VMEM((_CROWS,), jnp.int32) for _ in range(2)],
            [pltpu.VMEM((_CROWS, _D), jnp.float32) for _ in range(2)],
            [pltpu.VMEM((_EH, _D // 8, 1, 8, _LH), jnp.float32)
             for _ in range(2)],
            [pltpu.SemaphoreType.DMA for _ in range(2)],
            [pltpu.SemaphoreType.DMA for _ in range(2)],
        ],
        compiler_params=pltpu.CompilerParams(use_tc_tiling_on_sc=False,
                                             needs_layout_passes=False),
    )(indices.astype(jnp.int32), table)
    return out5.transpose(2, 4, 0, 1, 3).reshape(_G, _E, _D)

# --- scband reference (transcript-rebuilt; emitter-appended) ---
"""Pipeline reference for scband-graph-embedding-37847251813132 (READ-ONLY COPY).

The authoritative reference and input builder live on the scoring server;
editing this copy changes nothing except your own understanding.
"""

import jax, jax.numpy as jnp
import numpy as np

NUM_GRAPHS = 1000000
NUM_FEATURES = 32

def setup_inputs(seed: int = 0) -> dict:
    key = jax.random.key(seed)
    k_idx, k_embed = jax.random.split(key)
    indices = jax.random.randint(k_idx, (16384, 26), 0, NUM_GRAPHS, dtype=jnp.int64 if jax.config.jax_enable_x64 else jnp.int32)
    embed = jax.random.normal(k_embed, (NUM_GRAPHS, NUM_FEATURES), dtype=jnp.float32) * 0.05
    return {"indices": indices, "embed": embed}

def reference(indices, embed):
    # Faithful translation of tf.gather(self.embed, indices)
    return jnp.take(embed, indices, axis=0)

if __name__ == "__main__":
    import jax
    _d = setup_inputs()
    print(jax.jit(kernel)(*tuple(_d.values())))

</pallas_src>

<mosaic_0001>
#map = affine_map<(d0, d1) -> (0, 0)>
#map1 = affine_map<(d0, d1) -> (0)>
module attributes {stable_mosaic.version = 14 : i64} {
  func.func @_detile_body(%arg0: i32, %arg1: i32, %arg2: memref<32x1000000xf32, #tpu.memory_space<hbm>>, %arg3: memref<32000000xf32, #tpu.memory_space<hbm>>, %arg4: memref<32x1600xf32, #tpu.memory_space<vmem>>, %arg5: memref<51200xf32, #tpu.memory_space<vmem>>, %arg6: memref<!tpu.dma_semaphore, #tpu.memory_space<semaphore_mem>>) attributes {dimension_semantics = [#tpu.dimension_semantics<core_parallel>, #tpu.dimension_semantics<subcore_parallel>], iteration_bounds = array<i64: 2, 16>, scalar_prefetch = 0 : i64, scratch_operands = 3 : i64, tpu.core_type = #tpu.core_type<sc_vector_subcore>, window_params = [{transform_indices = #map}, {transform_indices = #map1}]} {
    %mul3A = arith.constant 2 : i32
    %mul3A_0 = arith.muli %arg1, %mul3A : i32
    %add3A = arith.addi %mul3A_0, %arg0 : i32
    %iota3A = tpu.iota {dimensions = array<i32: 0>} : vector<16xi32>
    %scan3A = arith.constant 0 : i32
    %scan3A_1 = arith.constant 20 : i32
    %scan3A_2 = arith.addi %scan3A, %scan3A_1 : i32
    %scan3A_3 = arith.constant 1 : i32
    scf.for %scan3A_31 = %scan3A to %scan3A_2 step %scan3A_3  : i32 {
      %mul3A_32 = arith.constant 1 : i32
      %mul3A_33 = arith.muli %scan3A_31, %mul3A_32 : i32
      %add3A_34 = arith.constant 0 : i32
      %add3A_35 = arith.addi %add3A_34, %mul3A_33 : i32
      %mul3A_36 = arith.constant 32 : i32
      %mul3A_37 = arith.muli %add3A_35, %mul3A_36 : i32
      %add3A_38 = arith.addi %mul3A_37, %add3A : i32
      %lt3A = arith.constant 625 : i32
      %lt3A_39 = arith.cmpi slt, %add3A_38, %lt3A : i32
      %convert_element_type3A = arith.extui %lt3A_39 : i1 to i32
      %cond3A = arith.constant 0 : i32
      %cond3A_40 = arith.cmpi ne, %convert_element_type3A, %cond3A : i32
      scf.if %cond3A_40 {
        %mul3A_41 = arith.constant 1600 : i32
        %mul3A_42 = arith.muli %add3A_38, %mul3A_41 : i32
        "tpu.region"() ({
          %run_scoped3A = tpu.sem_alloc : memref<!tpu.dma_semaphore, #tpu.memory_space<semaphore_mem>>
          %dma_start3A_54 = arith.constant 0 : i32
          %dma_start3A_55 = tpu.memref_slice %arg2[%dma_start3A_54, %mul3A_42] : memref<32x1000000xf32, #tpu.memory_space<hbm>> -> memref<32x1600xf32, #tpu.memory_space<hbm>>
          %dma_start3A_56 = arith.constant 0 : i32
          %dma_start3A_57 = tpu.memref_slice %arg2[%dma_start3A_56, %mul3A_42] : memref<32x1000000xf32, #tpu.memory_space<hbm>> -> memref<32x1600xf32, #tpu.memory_space<hbm>>
          tpu.enqueue_dma source(%dma_start3A_57 : memref<32x1600xf32, #tpu.memory_space<hbm>>) target(%arg4 : memref<32x1600xf32, #tpu.memory_space<vmem>>) target_semaphore(%run_scoped3A : memref<!tpu.dma_semaphore, #tpu.memory_space<semaphore_mem>>)
          %dma_wait3A_58 = arith.constant 0 : i32
          %dma_wait3A_59 = tpu.memref_slice %arg2[%dma_wait3A_58, %mul3A_42] : memref<32x1000000xf32, #tpu.memory_space<hbm>> -> memref<32x1600xf32, #tpu.memory_space<hbm>>
          %dma_wait3A_60 = arith.constant 0 : i32
          %dma_wait3A_61 = tpu.memref_slice %arg2[%dma_wait3A_60, %mul3A_42] : memref<32x1000000xf32, #tpu.memory_space<hbm>> -> memref<32x1600xf32, #tpu.memory_space<hbm>>
          tpu.wait_dma2 semaphore(%run_scoped3A : memref<!tpu.dma_semaphore, #tpu.memory_space<semaphore_mem>>) src(%dma_wait3A_61 : memref<32x1600xf32, #tpu.memory_space<hbm>>) dst(%arg4 : memref<32x1600xf32, #tpu.memory_space<vmem>>)
          tpu.yield
        }) : () -> ()
        %gt3A = arith.constant 0 : i32
        %gt3A_43 = arith.cmpi sgt, %add3A_35, %gt3A : i32
        %convert_element_type3A_44 = arith.extui %gt3A_43 : i1 to i32
        %cond3A_45 = arith.constant 0 : i32
        %cond3A_46 = arith.cmpi ne, %convert_element_type3A_44, %cond3A_45 : i32
        scf.if %cond3A_46 {
          %sub3A_54 = arith.constant 32 : i32
          %sub3A_55 = arith.subi %add3A_38, %sub3A_54 : i32
          %mul3A_56 = arith.constant 1600 : i32
          %mul3A_57 = arith.muli %sub3A_55, %mul3A_56 : i32
          %mul3A_58 = arith.constant 32 : i32
          %mul3A_59 = arith.muli %mul3A_57, %mul3A_58 : i32
          %dma_wait3A_60 = tpu.memref_slice %arg3[%mul3A_59] : memref<32000000xf32, #tpu.memory_space<hbm>> -> memref<51200xf32, #tpu.memory_space<hbm>>
          %dma_wait3A_61 = tpu.memref_slice %arg3[%mul3A_59] : memref<32000000xf32, #tpu.memory_space<hbm>> -> memref<51200xf32, #tpu.memory_space<hbm>>
          tpu.wait_dma2 semaphore(%arg6 : memref<!tpu.dma_semaphore, #tpu.memory_space<semaphore_mem>>) src(%arg5 : memref<51200xf32, #tpu.memory_space<vmem>>) dst(%dma_wait3A_61 : memref<51200xf32, #tpu.memory_space<hbm>>)
        } else {
        }
        %parallel_loop3A = arith.constant 0 : i32
        %parallel_loop3A_47 = arith.constant 1600 : i32
        %parallel_loop3A_48 = arith.constant 1 : i32
        scf.for %parallel_loop3A_54 = %parallel_loop3A to %parallel_loop3A_47 step %parallel_loop3A_48  : i32 {
          %parallel_loop3A_55 = vector.broadcast %parallel_loop3A_54 : i32 to vector<16xi32>
          %parallel_loop3A_56 = arith.constant 0 : i32
          %parallel_loop3A_57 = vector.broadcast %parallel_loop3A_56 : i32 to vector<16xi32>
          %parallel_loop3A_58 = arith.addi %parallel_loop3A_57, %iota3A : vector<16xi32>
          %parallel_loop3A_59 = tpu.vector_load_idx %arg4[%parallel_loop3A_58, %parallel_loop3A_55] : memref<32x1600xf32, #tpu.memory_space<vmem>>[vector<16xi32>, vector<16xi32>], vector<16xf32>,
          %parallel_loop3A_60 = arith.constant 32 : i32
          %parallel_loop3A_61 = arith.muli %parallel_loop3A_54, %parallel_loop3A_60 : i32
          %parallel_loop3A_62 = arith.constant 0 : i32
          %parallel_loop3A_63 = arith.addi %parallel_loop3A_61, %parallel_loop3A_62 : i32
          %parallel_loop3A_64 = arith.index_cast %parallel_loop3A_63 : i32 to index
          %parallel_loop3A_65 = tpu.vector_load %arg5[%parallel_loop3A_64] {strides = array<i32>} : memref<51200xf32, #tpu.memory_space<vmem>>, vector<16xf32>,
          tpu.vector_store %arg5[%parallel_loop3A_64], %parallel_loop3A_59 {strides = array<i32>} : memref<51200xf32, #tpu.memory_space<vmem>>, vector<16xf32>,
          %parallel_loop3A_66 = arith.constant 16 : i32
          %parallel_loop3A_67 = vector.broadcast %parallel_loop3A_66 : i32 to vector<16xi32>
          %parallel_loop3A_68 = arith.addi %parallel_loop3A_67, %iota3A : vector<16xi32>
          %parallel_loop3A_69 = tpu.vector_load_idx %arg4[%parallel_loop3A_68, %parallel_loop3A_55] : memref<32x1600xf32, #tpu.memory_space<vmem>>[vector<16xi32>, vector<16xi32>], vector<16xf32>,
          %parallel_loop3A_70 = arith.constant 32 : i32
          %parallel_loop3A_71 = arith.muli %parallel_loop3A_54, %parallel_loop3A_70 : i32
          %parallel_loop3A_72 = arith.constant 16 : i32
          %parallel_loop3A_73 = arith.addi %parallel_loop3A_71, %parallel_loop3A_72 : i32
          %parallel_loop3A_74 = arith.index_cast %parallel_loop3A_73 : i32 to index
          %parallel_loop3A_75 = tpu.vector_load %arg5[%parallel_loop3A_74] {strides = array<i32>} : memref<51200xf32, #tpu.memory_space<vmem>>, vector<16xf32>,
          tpu.vector_store %arg5[%parallel_loop3A_74], %parallel_loop3A_69 {strides = array<i32>} : memref<51200xf32, #tpu.memory_space<vmem>>, vector<16xf32>,
        } {sc.loop_unroll_factor = 8 : i64, sc.parallel_access}
        %mul3A_49 = arith.constant 1600 : i32
        %mul3A_50 = arith.muli %add3A_38, %mul3A_49 : i32
        %mul3A_51 = arith.constant 32 : i32
        %mul3A_52 = arith.muli %mul3A_50, %mul3A_51 : i32
        %dma_start3A = tpu.memref_slice %arg3[%mul3A_52] : memref<32000000xf32, #tpu.memory_space<hbm>> -> memref<51200xf32, #tpu.memory_space<hbm>>
        %dma_start3A_53 = tpu.memref_slice %arg3[%mul3A_52] : memref<32000000xf32, #tpu.memory_space<hbm>> -> memref<51200xf32, #tpu.memory_space<hbm>>
        tpu.enqueue_dma source(%arg5 : memref<51200xf32, #tpu.memory_space<vmem>>) target(%dma_start3A_53 : memref<51200xf32, #tpu.memory_space<hbm>>) target_semaphore(%arg6 : memref<!tpu.dma_semaphore, #tpu.memory_space<semaphore_mem>>)
      } else {
      }
    }
    %scan3A_4 = arith.constant 20 : i32
    %sub3A = arith.constant 624 : i32
    %sub3A_5 = arith.subi %sub3A, %add3A : i32
    %jit3A = arith.constant 32 : i32
    %div3A = arith.divsi %sub3A_5, %jit3A : i32
    %sign3A = arith.constant 0 : i32
    %sign3A_6 = arith.cmpi sgt, %sub3A_5, %sign3A : i32
    %sign3A_7 = arith.extui %sign3A_6 : i1 to i32
    %sign3A_8 = arith.constant 0 : i32
    %sign3A_9 = arith.cmpi slt, %sub3A_5, %sign3A_8 : i32
    %sign3A_10 = arith.extui %sign3A_9 : i1 to i32
    %sign3A_11 = arith.subi %sign3A_7, %sign3A_10 : i32
    %sign3A_12 = arith.constant 0 : i32
    %sign3A_13 = arith.cmpi sgt, %jit3A, %sign3A_12 : i32
    %sign3A_14 = arith.extui %sign3A_13 : i1 to i32
    %sign3A_15 = arith.constant 0 : i32
    %sign3A_16 = arith.cmpi slt, %jit3A, %sign3A_15 : i32
    %sign3A_17 = arith.extui %sign3A_16 : i1 to i32
    %sign3A_18 = arith.subi %sign3A_14, %sign3A_17 : i32
    %ne3A = arith.cmpi ne, %sign3A_11, %sign3A_18 : i32
    %rem3A = arith.remsi %sub3A_5, %jit3A : i32
    %ne3A_19 = arith.constant 0 : i32
    %ne3A_20 = arith.cmpi ne, %rem3A, %ne3A_19 : i32
    %and3A = arith.andi %ne3A, %ne3A_20 : i1
    %sub3A_21 = arith.constant 1 : i32
    %sub3A_22 = arith.subi %div3A, %sub3A_21 : i32
    %select_n3A = arith.select %and3A, %sub3A_22, %div3A : i32
    %mul3A_23 = arith.constant 32 : i32
    %mul3A_24 = arith.muli %select_n3A, %mul3A_23 : i32
    %add3A_25 = arith.addi %add3A, %mul3A_24 : i32
    %mul3A_26 = arith.constant 1600 : i32
    %mul3A_27 = arith.muli %add3A_25, %mul3A_26 : i32
    %mul3A_28 = arith.constant 32 : i32
    %mul3A_29 = arith.muli %mul3A_27, %mul3A_28 : i32
    %dma_wait3A = tpu.memref_slice %arg3[%mul3A_29] : memref<32000000xf32, #tpu.memory_space<hbm>> -> memref<51200xf32, #tpu.memory_space<hbm>>
    %dma_wait3A_30 = tpu.memref_slice %arg3[%mul3A_29] : memref<32000000xf32, #tpu.memory_space<hbm>> -> memref<51200xf32, #tpu.memory_space<hbm>>
    tpu.wait_dma2 semaphore(%arg6 : memref<!tpu.dma_semaphore, #tpu.memory_space<semaphore_mem>>) src(%arg5 : memref<51200xf32, #tpu.memory_space<vmem>>) dst(%dma_wait3A_30 : memref<51200xf32, #tpu.memory_space<hbm>>)
    return
  }
}

#map = affine_map<(d0, d1) -> (0, 0)>
#map1 = affine_map<(d0, d1) -> (0, 0, 0, 0, 0)>
module attributes {stable_mosaic.version = 14 : i64} {
  func.func @_gather_body(%arg0: i32, %arg1: i32, %arg2: memref<16384x26xi32, #tpu.memory_space<hbm>>, %arg3: memref<1000000x32xf32, #tpu.memory_space<hbm>>, %arg4: memref<26x4x128x8x128xf32, #tpu.memory_space<hbm>>, %arg5: memref<512x26xi32, #tpu.memory_space<vmem>>, %arg6: memref<832xi32, #tpu.memory_space<vmem>>, %arg7: memref<832xi32, #tpu.memory_space<vmem>>, %arg8: memref<832x32xf32, #tpu.memory_space<vmem>>, %arg9: memref<832x32xf32, #tpu.memory_space<vmem>>, %arg10: memref<13x4x1x8x64xf32, #tpu.memory_space<vmem>>, %arg11: memref<13x4x1x8x64xf32, #tpu.memory_space<vmem>>, %arg12: memref<!tpu.dma_semaphore, #tpu.memory_space<semaphore_mem>>, %arg13: memref<!tpu.dma_semaphore, #tpu.memory_space<semaphore_mem>>, %arg14: memref<!tpu.dma_semaphore, #tpu.memory_space<semaphore_mem>>, %arg15: memref<!tpu.dma_semaphore, #tpu.memory_space<semaphore_mem>>) attributes {dimension_semantics = [#tpu.dimension_semantics<core_parallel>, #tpu.dimension_semantics<subcore_parallel>], iteration_bounds = array<i64: 2, 16>, scalar_prefetch = 0 : i64, scratch_operands = 11 : i64, tpu.core_type = #tpu.core_type<sc_vector_subcore>, window_params = [{transform_indices = #map}, {transform_indices = #map}, {transform_indices = #map1}]} {
    %mul3A = arith.constant 2 : i32
    %mul3A_0 = arith.muli %arg1, %mul3A : i32
    %add3A = arith.addi %mul3A_0, %arg0 : i32
    %mul3A_1 = arith.constant 512 : i32
    %mul3A_2 = arith.muli %add3A, %mul3A_1 : i32
    %iota3A = tpu.iota {dimensions = array<i32: 0>} : vector<16xi32>
    "tpu.region"() ({
      %run_scoped3A = tpu.sem_alloc : memref<!tpu.dma_semaphore, #tpu.memory_space<semaphore_mem>>
      %dma_start3A_21 = arith.constant 0 : i32
      %dma_start3A_22 = tpu.memref_slice %arg2[%mul3A_2, %dma_start3A_21] : memref<16384x26xi32, #tpu.memory_space<hbm>> -> memref<512x26xi32, #tpu.memory_space<hbm>>
      %dma_start3A_23 = arith.constant 0 : i32
      %dma_start3A_24 = tpu.memref_slice %arg2[%mul3A_2, %dma_start3A_23] : memref<16384x26xi32, #tpu.memory_space<hbm>> -> memref<512x26xi32, #tpu.memory_space<hbm>>
      tpu.enqueue_dma source(%dma_start3A_24 : memref<512x26xi32, #tpu.memory_space<hbm>>) target(%arg5 : memref<512x26xi32, #tpu.memory_space<vmem>>) target_semaphore(%run_scoped3A : memref<!tpu.dma_semaphore, #tpu.memory_space<semaphore_mem>>)
      %dma_wait3A = arith.constant 0 : i32
      %dma_wait3A_25 = tpu.memref_slice %arg2[%mul3A_2, %dma_wait3A] : memref<16384x26xi32, #tpu.memory_space<hbm>> -> memref<512x26xi32, #tpu.memory_space<hbm>>
      %dma_wait3A_26 = arith.constant 0 : i32
      %dma_wait3A_27 = tpu.memref_slice %arg2[%mul3A_2, %dma_wait3A_26] : memref<16384x26xi32, #tpu.memory_space<hbm>> -> memref<512x26xi32, #tpu.memory_space<hbm>>
      tpu.wait_dma2 semaphore(%run_scoped3A : memref<!tpu.dma_semaphore, #tpu.memory_space<semaphore_mem>>) src(%dma_wait3A_27 : memref<512x26xi32, #tpu.memory_space<hbm>>) dst(%arg5 : memref<512x26xi32, #tpu.memory_space<vmem>>)
      tpu.yield
    }) : () -> ()
    %parallel_loop3A = arith.constant 0 : i32
    %parallel_loop3A_3 = arith.constant 13 : i32
    %parallel_loop3A_4 = arith.constant 1 : i32
    scf.for %parallel_loop3A_21 = %parallel_loop3A to %parallel_loop3A_3 step %parallel_loop3A_4  : i32 {
      %parallel_loop3A_22 = arith.constant 0 : i32
      %parallel_loop3A_23 = arith.addi %parallel_loop3A_22, %parallel_loop3A_21 : i32
      %parallel_loop3A_24 = vector.broadcast %parallel_loop3A_23 : i32 to vector<16xi32>
      %parallel_loop3A_25 = arith.constant 0 : i32
      %parallel_loop3A_26 = vector.broadcast %parallel_loop3A_25 : i32 to vector<16xi32>
      %parallel_loop3A_27 = arith.addi %parallel_loop3A_26, %iota3A : vector<16xi32>
      %parallel_loop3A_28 = tpu.vector_load_idx %arg5[%parallel_loop3A_27, %parallel_loop3A_24] : memref<512x26xi32, #tpu.memory_space<vmem>>[vector<16xi32>, vector<16xi32>], vector<16xi32>,
      %parallel_loop3A_29 = arith.constant 64 : i32
      %parallel_loop3A_30 = arith.muli %parallel_loop3A_21, %parallel_loop3A_29 : i32
      %parallel_loop3A_31 = arith.constant 0 : i32
      %parallel_loop3A_32 = arith.addi %parallel_loop3A_30, %parallel_loop3A_31 : i32
      %parallel_loop3A_33 = arith.index_cast %parallel_loop3A_32 : i32 to index
      %parallel_loop3A_34 = tpu.vector_load %arg6[%parallel_loop3A_33] {strides = array<i32>} : memref<832xi32, #tpu.memory_space<vmem>>, vector<16xi32>,
      tpu.vector_store %arg6[%parallel_loop3A_33], %parallel_loop3A_28 {strides = array<i32>} : memref<832xi32, #tpu.memory_space<vmem>>, vector<16xi32>,
      %parallel_loop3A_35 = arith.constant 16 : i32
      %parallel_loop3A_36 = vector.broadcast %parallel_loop3A_35 : i32 to vector<16xi32>
      %parallel_loop3A_37 = arith.addi %parallel_loop3A_36, %iota3A : vector<16xi32>
      %parallel_loop3A_38 = tpu.vector_load_idx %arg5[%parallel_loop3A_37, %parallel_loop3A_24] : memref<512x26xi32, #tpu.memory_space<vmem>>[vector<16xi32>, vector<16xi32>], vector<16xi32>,
      %parallel_loop3A_39 = arith.constant 64 : i32
      %parallel_loop3A_40 = arith.muli %parallel_loop3A_21, %parallel_loop3A_39 : i32
      %parallel_loop3A_41 = arith.constant 16 : i32
      %parallel_loop3A_42 = arith.addi %parallel_loop3A_40, %parallel_loop3A_41 : i32
      %parallel_loop3A_43 = arith.index_cast %parallel_loop3A_42 : i32 to index
      %parallel_loop3A_44 = tpu.vector_load %arg6[%parallel_loop3A_43] {strides = array<i32>} : memref<832xi32, #tpu.memory_space<vmem>>, vector<16xi32>,
      tpu.vector_store %arg6[%parallel_loop3A_43], %parallel_loop3A_38 {strides = array<i32>} : memref<832xi32, #tpu.memory_space<vmem>>, vector<16xi32>,
      %parallel_loop3A_45 = arith.constant 32 : i32
      %parallel_loop3A_46 = vector.broadcast %parallel_loop3A_45 : i32 to vector<16xi32>
      %parallel_loop3A_47 = arith.addi %parallel_loop3A_46, %iota3A : vector<16xi32>
      %parallel_loop3A_48 = tpu.vector_load_idx %arg5[%parallel_loop3A_47, %parallel_loop3A_24] : memref<512x26xi32, #tpu.memory_space<vmem>>[vector<16xi32>, vector<16xi32>], vector<16xi32>,
      %parallel_loop3A_49 = arith.constant 64 : i32
      %parallel_loop3A_50 = arith.muli %parallel_loop3A_21, %parallel_loop3A_49 : i32
      %parallel_loop3A_51 = arith.constant 32 : i32
      %parallel_loop3A_52 = arith.addi %parallel_loop3A_50, %parallel_loop3A_51 : i32
      %parallel_loop3A_53 = arith.index_cast %parallel_loop3A_52 : i32 to index
      %parallel_loop3A_54 = tpu.vector_load %arg6[%parallel_loop3A_53] {strides = array<i32>} : memref<832xi32, #tpu.memory_space<vmem>>, vector<16xi32>,
      tpu.vector_store %arg6[%parallel_loop3A_53], %parallel_loop3A_48 {strides = array<i32>} : memref<832xi32, #tpu.memory_space<vmem>>, vector<16xi32>,
      %parallel_loop3A_55 = arith.constant 48 : i32
      %parallel_loop3A_56 = vector.broadcast %parallel_loop3A_55 : i32 to vector<16xi32>
      %parallel_loop3A_57 = arith.addi %parallel_loop3A_56, %iota3A : vector<16xi32>
      %parallel_loop3A_58 = tpu.vector_load_idx %arg5[%parallel_loop3A_57, %parallel_loop3A_24] : memref<512x26xi32, #tpu.memory_space<vmem>>[vector<16xi32>, vector<16xi32>], vector<16xi32>,
      %parallel_loop3A_59 = arith.constant 64 : i32
      %parallel_loop3A_60 = arith.muli %parallel_loop3A_21, %parallel_loop3A_59 : i32
      %parallel_loop3A_61 = arith.constant 48 : i32
      %parallel_loop3A_62 = arith.addi %parallel_loop3A_60, %parallel_loop3A_61 : i32
      %parallel_loop3A_63 = arith.index_cast %parallel_loop3A_62 : i32 to index
      %parallel_loop3A_64 = tpu.vector_load %arg6[%parallel_loop3A_63] {strides = array<i32>} : memref<832xi32, #tpu.memory_space<vmem>>, vector<16xi32>,
      tpu.vector_store %arg6[%parallel_loop3A_63], %parallel_loop3A_58 {strides = array<i32>} : memref<832xi32, #tpu.memory_space<vmem>>, vector<16xi32>,
    } {sc.loop_unroll_factor = 4 : i64, sc.parallel_access}
    %dma_start3A = arith.constant 0 : i32
    %dma_start3A_5 = arith.constant 0 : i32
    %dma_start3A_6 = tpu.memref_slice %arg3[%dma_start3A, %dma_start3A_5] : memref<1000000x32xf32, #tpu.memory_space<hbm>> -> memref<1000000x32xf32, #tpu.memory_space<hbm>>
    tpu.enqueue_indirect_dma source(%dma_start3A_6 : memref<1000000x32xf32, #tpu.memory_space<hbm>>) target(%arg8 : memref<832x32xf32, #tpu.memory_space<vmem>>) offsets(%arg6 : memref<832xi32, #tpu.memory_space<vmem>>) semaphore(%arg12 : memref<!tpu.dma_semaphore, #tpu.memory_space<semaphore_mem>>)
    %scan3A = arith.constant 0 : i32
    %scan3A_7 = arith.constant 8 : i32
    %scan3A_8 = arith.addi %scan3A, %scan3A_7 : i32
    %scan3A_9 = arith.constant 1 : i32
    scf.for %scan3A_21 = %scan3A to %scan3A_8 step %scan3A_9  : i32 {
      %mul3A_22 = arith.constant 2 : i32
      %mul3A_23 = arith.muli %scan3A_21, %mul3A_22 : i32
      %add3A_24 = arith.constant 0 : i32
      %add3A_25 = arith.addi %add3A_24, %mul3A_23 : i32
      %add3A_26 = arith.constant 0 : i32
      %add3A_27 = arith.addi %add3A_25, %add3A_26 : i32
      %add3A_28 = arith.constant 1 : i32
      %add3A_29 = arith.addi %add3A_27, %add3A_28 : i32
      %lt3A = arith.constant 16 : i32
      %lt3A_30 = arith.cmpi slt, %add3A_29, %lt3A : i32
      %convert_element_type3A = arith.extui %lt3A_30 : i1 to i32
      %cond3A = arith.constant 0 : i32
      %cond3A_31 = arith.cmpi ne, %convert_element_type3A, %cond3A : i32
      scf.if %cond3A_31 {
        %shift_right_arithmetic3A_94 = arith.constant 2 : i32
        %shift_right_arithmetic3A_95 = arith.shrsi %add3A_29, %shift_right_arithmetic3A_94 : i32
        %shift_right_arithmetic3A_96 = arith.constant 1 : i32
        %shift_right_arithmetic3A_97 = arith.shrsi %add3A_29, %shift_right_arithmetic3A_96 : i32
        %and3A_98 = arith.constant 1 : i32
        %and3A_99 = arith.andi %shift_right_arithmetic3A_97, %and3A_98 : i32
        %mul3A_100 = arith.constant 13 : i32
        %mul3A_101 = arith.muli %and3A_99, %mul3A_100 : i32
        %and3A_102 = arith.constant 1 : i32
        %and3A_103 = arith.andi %add3A_29, %and3A_102 : i32
        %mul3A_104 = arith.constant 64 : i32
        %mul3A_105 = arith.muli %and3A_103, %mul3A_104 : i32
        %parallel_loop3A_106 = arith.constant 0 : i32
        %parallel_loop3A_107 = arith.constant 13 : i32
        %parallel_loop3A_108 = arith.constant 1 : i32
        scf.for %parallel_loop3A_109 = %parallel_loop3A_106 to %parallel_loop3A_107 step %parallel_loop3A_108  : i32 {
          %parallel_loop3A_110 = arith.addi %mul3A_101, %parallel_loop3A_109 : i32
          %parallel_loop3A_111 = vector.broadcast %parallel_loop3A_110 : i32 to vector<16xi32>
          %parallel_loop3A_112 = arith.constant 128 : i32
          %parallel_loop3A_113 = arith.muli %shift_right_arithmetic3A_95, %parallel_loop3A_112 : i32
          %parallel_loop3A_114 = arith.addi %parallel_loop3A_113, %mul3A_105 : i32
          %parallel_loop3A_115 = arith.constant 0 : i32
          %parallel_loop3A_116 = arith.addi %parallel_loop3A_114, %parallel_loop3A_115 : i32
          %parallel_loop3A_117 = vector.broadcast %parallel_loop3A_116 : i32 to vector<16xi32>
          %parallel_loop3A_118 = arith.addi %parallel_loop3A_117, %iota3A : vector<16xi32>
          %parallel_loop3A_119 = tpu.vector_load_idx %arg5[%parallel_loop3A_118, %parallel_loop3A_111] : memref<512x26xi32, #tpu.memory_space<vmem>>[vector<16xi32>, vector<16xi32>], vector<16xi32>,
          %parallel_loop3A_120 = arith.constant 64 : i32
          %parallel_loop3A_121 = arith.muli %parallel_loop3A_109, %parallel_loop3A_120 : i32
          %parallel_loop3A_122 = arith.constant 0 : i32
          %parallel_loop3A_123 = arith.addi %parallel_loop3A_121, %parallel_loop3A_122 : i32
          %parallel_loop3A_124 = arith.index_cast %parallel_loop3A_123 : i32 to index
          %parallel_loop3A_125 = tpu.vector_load %arg7[%parallel_loop3A_124] {strides = array<i32>} : memref<832xi32, #tpu.memory_space<vmem>>, vector<16xi32>,
          tpu.vector_store %arg7[%parallel_loop3A_124], %parallel_loop3A_119 {strides = array<i32>} : memref<832xi32, #tpu.memory_space<vmem>>, vector<16xi32>,
          %parallel_loop3A_126 = arith.constant 128 : i32
          %parallel_loop3A_127 = arith.muli %shift_right_arithmetic3A_95, %parallel_loop3A_126 : i32
          %parallel_loop3A_128 = arith.addi %parallel_loop3A_127, %mul3A_105 : i32
          %parallel_loop3A_129 = arith.constant 16 : i32
          %parallel_loop3A_130 = arith.addi %parallel_loop3A_128, %parallel_loop3A_129 : i32
          %parallel_loop3A_131 = vector.broadcast %parallel_loop3A_130 : i32 to vector<16xi32>
          %parallel_loop3A_132 = arith.addi %parallel_loop3A_131, %iota3A : vector<16xi32>
          %parallel_loop3A_133 = tpu.vector_load_idx %arg5[%parallel_loop3A_132, %parallel_loop3A_111] : memref<512x26xi32, #tpu.memory_space<vmem>>[vector<16xi32>, vector<16xi32>], vector<16xi32>,
          %parallel_loop3A_134 = arith.constant 64 : i32
          %parallel_loop3A_135 = arith.muli %parallel_loop3A_109, %parallel_loop3A_134 : i32
          %parallel_loop3A_136 = arith.constant 16 : i32
          %parallel_loop3A_137 = arith.addi %parallel_loop3A_135, %parallel_loop3A_136 : i32
          %parallel_loop3A_138 = arith.index_cast %parallel_loop3A_137 : i32 to index
          %parallel_loop3A_139 = tpu.vector_load %arg7[%parallel_loop3A_138] {strides = array<i32>} : memref<832xi32, #tpu.memory_space<vmem>>, vector<16xi32>,
          tpu.vector_store %arg7[%parallel_loop3A_138], %parallel_loop3A_133 {strides = array<i32>} : memref<832xi32, #tpu.memory_space<vmem>>, vector<16xi32>,
          %parallel_loop3A_140 = arith.constant 128 : i32
          %parallel_loop3A_141 = arith.muli %shift_right_arithmetic3A_95, %parallel_loop3A_140 : i32
          %parallel_loop3A_142 = arith.addi %parallel_loop3A_141, %mul3A_105 : i32
          %parallel_loop3A_143 = arith.constant 32 : i32
          %parallel_loop3A_144 = arith.addi %parallel_loop3A_142, %parallel_loop3A_143 : i32
          %parallel_loop3A_145 = vector.broadcast %parallel_loop3A_144 : i32 to vector<16xi32>
          %parallel_loop3A_146 = arith.addi %parallel_loop3A_145, %iota3A : vector<16xi32>
          %parallel_loop3A_147 = tpu.vector_load_idx %arg5[%parallel_loop3A_146, %parallel_loop3A_111] : memref<512x26xi32, #tpu.memory_space<vmem>>[vector<16xi32>, vector<16xi32>], vector<16xi32>,
          %parallel_loop3A_148 = arith.constant 64 : i32
          %parallel_loop3A_149 = arith.muli %parallel_loop3A_109, %parallel_loop3A_148 : i32
          %parallel_loop3A_150 = arith.constant 32 : i32
          %parallel_loop3A_151 = arith.addi %parallel_loop3A_149, %parallel_loop3A_150 : i32
          %parallel_loop3A_152 = arith.index_cast %parallel_loop3A_151 : i32 to index
          %parallel_loop3A_153 = tpu.vector_load %arg7[%parallel_loop3A_152] {strides = array<i32>} : memref<832xi32, #tpu.memory_space<vmem>>, vector<16xi32>,
          tpu.vector_store %arg7[%parallel_loop3A_152], %parallel_loop3A_147 {strides = array<i32>} : memref<832xi32, #tpu.memory_space<vmem>>, vector<16xi32>,
          %parallel_loop3A_154 = arith.constant 128 : i32
          %parallel_loop3A_155 = arith.muli %shift_right_arithmetic3A_95, %parallel_loop3A_154 : i32
          %parallel_loop3A_156 = arith.addi %parallel_loop3A_155, %mul3A_105 : i32
          %parallel_loop3A_157 = arith.constant 48 : i32
          %parallel_loop3A_158 = arith.addi %parallel_loop3A_156, %parallel_loop3A_157 : i32
          %parallel_loop3A_159 = vector.broadcast %parallel_loop3A_158 : i32 to vector<16xi32>
          %parallel_loop3A_160 = arith.addi %parallel_loop3A_159, %iota3A : vector<16xi32>
          %parallel_loop3A_161 = tpu.vector_load_idx %arg5[%parallel_loop3A_160, %parallel_loop3A_111] : memref<512x26xi32, #tpu.memory_space<vmem>>[vector<16xi32>, vector<16xi32>], vector<16xi32>,
          %parallel_loop3A_162 = arith.constant 64 : i32
          %parallel_loop3A_163 = arith.muli %parallel_loop3A_109, %parallel_loop3A_162 : i32
          %parallel_loop3A_164 = arith.constant 48 : i32
          %parallel_loop3A_165 = arith.addi %parallel_loop3A_163, %parallel_loop3A_164 : i32
          %parallel_loop3A_166 = arith.index_cast %parallel_loop3A_165 : i32 to index
          %parallel_loop3A_167 = tpu.vector_load %arg7[%parallel_loop3A_166] {strides = array<i32>} : memref<832xi32, #tpu.memory_space<vmem>>, vector<16xi32>,
          tpu.vector_store %arg7[%parallel_loop3A_166], %parallel_loop3A_161 {strides = array<i32>} : memref<832xi32, #tpu.memory_space<vmem>>, vector<16xi32>,
        } {sc.loop_unroll_factor = 4 : i64, sc.parallel_access}
      } else {
      }
      %dma_wait3A = arith.constant 0 : i32
      %dma_wait3A_32 = arith.constant 0 : i32
      %dma_wait3A_33 = tpu.memref_slice %arg3[%dma_wait3A, %dma_wait3A_32] : memref<1000000x32xf32, #tpu.memory_space<hbm>> -> memref<1000000x32xf32, #tpu.memory_space<hbm>>
      tpu.wait_indirect_dma semaphore(%arg12 : memref<!tpu.dma_semaphore, #tpu.memory_space<semaphore_mem>>) src(%dma_wait3A_33 : memref<1000000x32xf32, #tpu.memory_space<hbm>>) dst(%arg8 : memref<832x32xf32, #tpu.memory_space<vmem>>)
      %lt3A_34 = arith.constant 16 : i32
      %lt3A_35 = arith.cmpi slt, %add3A_29, %lt3A_34 : i32
      %convert_element_type3A_36 = arith.extui %lt3A_35 : i1 to i32
      %cond3A_37 = arith.constant 0 : i32
      %cond3A_38 = arith.cmpi ne, %convert_element_type3A_36, %cond3A_37 : i32
      scf.if %cond3A_38 {
        %gt3A = arith.constant 0 : i32
        %gt3A_94 = arith.cmpi sgt, %add3A_27, %gt3A : i32
        %convert_element_type3A_95 = arith.extui %gt3A_94 : i1 to i32
        %cond3A_96 = arith.constant 0 : i32
        %cond3A_97 = arith.cmpi ne, %convert_element_type3A_95, %cond3A_96 : i32
        scf.if %cond3A_97 {
          %sub3A = arith.constant 1 : i32
          %sub3A_101 = arith.subi %add3A_27, %sub3A : i32
          %shift_right_arithmetic3A_102 = arith.constant 2 : i32
          %shift_right_arithmetic3A_103 = arith.shrsi %sub3A_101, %shift_right_arithmetic3A_102 : i32
          %shift_right_arithmetic3A_104 = arith.constant 1 : i32
          %shift_right_arithmetic3A_105 = arith.shrsi %sub3A_101, %shift_right_arithmetic3A_104 : i32
          %and3A_106 = arith.constant 1 : i32
          %and3A_107 = arith.andi %shift_right_arithmetic3A_105, %and3A_106 : i32
          %mul3A_108 = arith.constant 13 : i32
          %mul3A_109 = arith.muli %and3A_107, %mul3A_108 : i32
          %and3A_110 = arith.constant 1 : i32
          %and3A_111 = arith.andi %sub3A_101, %and3A_110 : i32
          %mul3A_112 = arith.constant 64 : i32
          %mul3A_113 = arith.muli %and3A_111, %mul3A_112 : i32
          %scan3A_114 = arith.constant 0 : i32
          %scan3A_115 = arith.constant 13 : i32
          %scan3A_116 = arith.addi %scan3A_114, %scan3A_115 : i32
          %scan3A_117 = arith.constant 1 : i32
          scf.for %scan3A_119 = %scan3A_114 to %scan3A_116 step %scan3A_117  : i32 {
            %mul3A_120 = arith.constant 1 : i32
            %mul3A_121 = arith.muli %scan3A_119, %mul3A_120 : i32
            %add3A_122 = arith.constant 0 : i32
            %add3A_123 = arith.addi %add3A_122, %mul3A_121 : i32
            %add3A_124 = arith.addi %mul3A_109, %add3A_123 : i32
            %mul3A_125 = arith.constant 4 : i32
            %mul3A_126 = arith.muli %add3A, %mul3A_125 : i32
            %add3A_127 = arith.addi %mul3A_126, %shift_right_arithmetic3A_103 : i32
            %dma_wait3A_128 = arith.constant 0 : i32
            %dma_wait3A_129 = arith.constant 0 : i32
            %dma_wait3A_130 = arith.constant 0 : i32
            %dma_wait3A_131 = arith.constant 0 : i32
            %dma_wait3A_132 = tpu.memref_slice %arg11[%add3A_123, %dma_wait3A_128, %dma_wait3A_129, %dma_wait3A_130, %dma_wait3A_131] : memref<13x4x1x8x64xf32, #tpu.memory_space<vmem>> -> memref<1x4x1x8x64xf32, #tpu.memory_space<vmem>>
            %dma_wait3A_133 = arith.constant 0 : i32
            %dma_wait3A_134 = arith.constant 0 : i32
            %dma_wait3A_135 = tpu.memref_slice %arg4[%add3A_124, %dma_wait3A_133, %add3A_127, %dma_wait3A_134, %mul3A_113] : memref<26x4x128x8x128xf32, #tpu.memory_space<hbm>> -> memref<1x4x1x8x64xf32, #tpu.memory_space<hbm>>
            %dma_wait3A_136 = arith.constant 0 : i32
            %dma_wait3A_137 = arith.constant 0 : i32
            %dma_wait3A_138 = tpu.memref_slice %arg4[%add3A_124, %dma_wait3A_136, %add3A_127, %dma_wait3A_137, %mul3A_113] : memref<26x4x128x8x128xf32, #tpu.memory_space<hbm>> -> memref<1x4x1x8x64xf32, #tpu.memory_space<hbm>>
            %dma_wait3A_139 = arith.constant 0 : i32
            %dma_wait3A_140 = arith.constant 0 : i32
            %dma_wait3A_141 = arith.constant 0 : i32
            %dma_wait3A_142 = arith.constant 0 : i32
            %dma_wait3A_143 = tpu.memref_slice %arg11[%add3A_123, %dma_wait3A_139, %dma_wait3A_140, %dma_wait3A_141, %dma_wait3A_142] : memref<13x4x1x8x64xf32, #tpu.memory_space<vmem>> -> memref<1x4x1x8x64xf32, #tpu.memory_space<vmem>>
            tpu.wait_dma2 semaphore(%arg15 : memref<!tpu.dma_semaphore, #tpu.memory_space<semaphore_mem>>) src(%dma_wait3A_143 : memref<1x4x1x8x64xf32, #tpu.memory_space<vmem>>) dst(%dma_wait3A_138 : memref<1x4x1x8x64xf32, #tpu.memory_space<hbm>>)
          }
          %scan3A_118 = arith.constant 13 : i32
        } else {
        }
        %dma_start3A_98 = arith.constant 0 : i32
        %dma_start3A_99 = arith.constant 0 : i32
        %dma_start3A_100 = tpu.memref_slice %arg3[%dma_start3A_98, %dma_start3A_99] : memref<1000000x32xf32, #tpu.memory_space<hbm>> -> memref<1000000x32xf32, #tpu.memory_space<hbm>>
        tpu.enqueue_indirect_dma source(%dma_start3A_100 : memref<1000000x32xf32, #tpu.memory_space<hbm>>) target(%arg9 : memref<832x32xf32, #tpu.memory_space<vmem>>) offsets(%arg7 : memref<832xi32, #tpu.memory_space<vmem>>) semaphore(%arg13 : memref<!tpu.dma_semaphore, #tpu.memory_space<semaphore_mem>>)
      } else {
      }
      %parallel_loop3A_39 = arith.constant 0 : i32
      %parallel_loop3A_40 = arith.constant 416 : i32
      %parallel_loop3A_41 = arith.constant 1 : i32
      scf.for %parallel_loop3A_94 = %parallel_loop3A_39 to %parallel_loop3A_40 step %parallel_loop3A_41  : i32 {
        %parallel_loop3A_95 = arith.constant 5 : i32
        %parallel_loop3A_96 = arith.shrsi %parallel_loop3A_94, %parallel_loop3A_95 : i32
        %parallel_loop3A_97 = arith.constant 31 : i32
        %parallel_loop3A_98 = arith.andi %parallel_loop3A_94, %parallel_loop3A_97 : i32
        %parallel_loop3A_99 = vector.broadcast %parallel_loop3A_98 : i32 to vector<16xi32>
        %parallel_loop3A_100 = arith.constant 64 : i32
        %parallel_loop3A_101 = arith.muli %parallel_loop3A_96, %parallel_loop3A_100 : i32
        %parallel_loop3A_102 = arith.constant 0 : i32
        %parallel_loop3A_103 = arith.addi %parallel_loop3A_101, %parallel_loop3A_102 : i32
        %parallel_loop3A_104 = vector.broadcast %parallel_loop3A_103 : i32 to vector<16xi32>
        %parallel_loop3A_105 = arith.addi %parallel_loop3A_104, %iota3A : vector<16xi32>
        %parallel_loop3A_106 = tpu.vector_load_idx %arg8[%parallel_loop3A_105, %parallel_loop3A_99] : memref<832x32xf32, #tpu.memory_space<vmem>>[vector<16xi32>, vector<16xi32>], vector<16xf32>,
        %parallel_loop3A_107 = arith.constant 3 : i32
        %parallel_loop3A_108 = arith.shrsi %parallel_loop3A_98, %parallel_loop3A_107 : i32
        %parallel_loop3A_109 = arith.constant 7 : i32
        %parallel_loop3A_110 = arith.andi %parallel_loop3A_98, %parallel_loop3A_109 : i32
        %parallel_loop3A_111 = arith.constant 0 : i32
        %parallel_loop3A_112 = arith.index_cast %parallel_loop3A_96 : i32 to index
        %parallel_loop3A_113 = arith.index_cast %parallel_loop3A_108 : i32 to index
        %parallel_loop3A_114 = arith.index_cast %parallel_loop3A_111 : i32 to index
        %parallel_loop3A_115 = arith.index_cast %parallel_loop3A_110 : i32 to index
        %parallel_loop3A_116 = arith.constant 0 : index
        %parallel_loop3A_117 = tpu.vector_load %arg10[%parallel_loop3A_112, %parallel_loop3A_113, %parallel_loop3A_114, %parallel_loop3A_115, %parallel_loop3A_116] {strides = array<i32>} : memref<13x4x1x8x64xf32, #tpu.memory_space<vmem>>, vector<16xf32>,
        tpu.vector_store %arg10[%parallel_loop3A_112, %parallel_loop3A_113, %parallel_loop3A_114, %parallel_loop3A_115, %parallel_loop3A_116], %parallel_loop3A_106 {strides = array<i32>} : memref<13x4x1x8x64xf32, #tpu.memory_space<vmem>>, vector<16xf32>,
        %parallel_loop3A_118 = arith.constant 64 : i32
        %parallel_loop3A_119 = arith.muli %parallel_loop3A_96, %parallel_loop3A_118 : i32
        %parallel_loop3A_120 = arith.constant 16 : i32
        %parallel_loop3A_121 = arith.addi %parallel_loop3A_119, %parallel_loop3A_120 : i32
        %parallel_loop3A_122 = vector.broadcast %parallel_loop3A_121 : i32 to vector<16xi32>
        %parallel_loop3A_123 = arith.addi %parallel_loop3A_122, %iota3A : vector<16xi32>
        %parallel_loop3A_124 = tpu.vector_load_idx %arg8[%parallel_loop3A_123, %parallel_loop3A_99] : memref<832x32xf32, #tpu.memory_space<vmem>>[vector<16xi32>, vector<16xi32>], vector<16xf32>,
        %parallel_loop3A_125 = arith.constant 3 : i32
        %parallel_loop3A_126 = arith.shrsi %parallel_loop3A_98, %parallel_loop3A_125 : i32
        %parallel_loop3A_127 = arith.constant 7 : i32
        %parallel_loop3A_128 = arith.andi %parallel_loop3A_98, %parallel_loop3A_127 : i32
        %parallel_loop3A_129 = arith.constant 0 : i32
        %parallel_loop3A_130 = arith.index_cast %parallel_loop3A_96 : i32 to index
        %parallel_loop3A_131 = arith.index_cast %parallel_loop3A_126 : i32 to index
        %parallel_loop3A_132 = arith.index_cast %parallel_loop3A_129 : i32 to index
        %parallel_loop3A_133 = arith.index_cast %parallel_loop3A_128 : i32 to index
        %parallel_loop3A_134 = arith.constant 16 : index
        %parallel_loop3A_135 = tpu.vector_load %arg10[%parallel_loop3A_130, %parallel_loop3A_131, %parallel_loop3A_132, %parallel_loop3A_133, %parallel_loop3A_134] {strides = array<i32>} : memref<13x4x1x8x64xf32, #tpu.memory_space<vmem>>, vector<16xf32>,
        tpu.vector_store %arg10[%parallel_loop3A_130, %parallel_loop3A_131, %parallel_loop3A_132, %parallel_loop3A_133, %parallel_loop3A_134], %parallel_loop3A_124 {strides = array<i32>} : memref<13x4x1x8x64xf32, #tpu.memory_space<vmem>>, vector<16xf32>,
        %parallel_loop3A_136 = arith.constant 64 : i32
        %parallel_loop3A_137 = arith.muli %parallel_loop3A_96, %parallel_loop3A_136 : i32
        %parallel_loop3A_138 = arith.constant 32 : i32
        %parallel_loop3A_139 = arith.addi %parallel_loop3A_137, %parallel_loop3A_138 : i32
        %parallel_loop3A_140 = vector.broadcast %parallel_loop3A_139 : i32 to vector<16xi32>
        %parallel_loop3A_141 = arith.addi %parallel_loop3A_140, %iota3A : vector<16xi32>
        %parallel_loop3A_142 = tpu.vector_load_idx %arg8[%parallel_loop3A_141, %parallel_loop3A_99] : memref<832x32xf32, #tpu.memory_space<vmem>>[vector<16xi32>, vector<16xi32>], vector<16xf32>,
        %parallel_loop3A_143 = arith.constant 3 : i32
        %parallel_loop3A_144 = arith.shrsi %parallel_loop3A_98, %parallel_loop3A_143 : i32
        %parallel_loop3A_145 = arith.constant 7 : i32
        %parallel_loop3A_146 = arith.andi %parallel_loop3A_98, %parallel_loop3A_145 : i32
        %parallel_loop3A_147 = arith.constant 0 : i32
        %parallel_loop3A_148 = arith.index_cast %parallel_loop3A_96 : i32 to index
        %parallel_loop3A_149 = arith.index_cast %parallel_loop3A_144 : i32 to index
        %parallel_loop3A_150 = arith.index_cast %parallel_loop3A_147 : i32 to index
        %parallel_loop3A_151 = arith.index_cast %parallel_loop3A_146 : i32 to index
        %parallel_loop3A_152 = arith.constant 32 : index
        %parallel_loop3A_153 = tpu.vector_load %arg10[%parallel_loop3A_148, %parallel_loop3A_149, %parallel_loop3A_150, %parallel_loop3A_151, %parallel_loop3A_152] {strides = array<i32>} : memref<13x4x1x8x64xf32, #tpu.memory_space<vmem>>, vector<16xf32>,
        tpu.vector_store %arg10[%parallel_loop3A_148, %parallel_loop3A_149, %parallel_loop3A_150, %parallel_loop3A_151, %parallel_loop3A_152], %parallel_loop3A_142 {strides = array<i32>} : memref<13x4x1x8x64xf32, #tpu.memory_space<vmem>>, vector<16xf32>,
        %parallel_loop3A_154 = arith.constant 64 : i32
        %parallel_loop3A_155 = arith.muli %parallel_loop3A_96, %parallel_loop3A_154 : i32
        %parallel_loop3A_156 = arith.constant 48 : i32
        %parallel_loop3A_157 = arith.addi %parallel_loop3A_155, %parallel_loop3A_156 : i32
        %parallel_loop3A_158 = vector.broadcast %parallel_loop3A_157 : i32 to vector<16xi32>
        %parallel_loop3A_159 = arith.addi %parallel_loop3A_158, %iota3A : vector<16xi32>
        %parallel_loop3A_160 = tpu.vector_load_idx %arg8[%parallel_loop3A_159, %parallel_loop3A_99] : memref<832x32xf32, #tpu.memory_space<vmem>>[vector<16xi32>, vector<16xi32>], vector<16xf32>,
        %parallel_loop3A_161 = arith.constant 3 : i32
        %parallel_loop3A_162 = arith.shrsi %parallel_loop3A_98, %parallel_loop3A_161 : i32
        %parallel_loop3A_163 = arith.constant 7 : i32
        %parallel_loop3A_164 = arith.andi %parallel_loop3A_98, %parallel_loop3A_163 : i32
        %parallel_loop3A_165 = arith.constant 0 : i32
        %parallel_loop3A_166 = arith.index_cast %parallel_loop3A_96 : i32 to index
        %parallel_loop3A_167 = arith.index_cast %parallel_loop3A_162 : i32 to index
        %parallel_loop3A_168 = arith.index_cast %parallel_loop3A_165 : i32 to index
        %parallel_loop3A_169 = arith.index_cast %parallel_loop3A_164 : i32 to index
        %parallel_loop3A_170 = arith.constant 48 : index
        %parallel_loop3A_171 = tpu.vector_load %arg10[%parallel_loop3A_166, %parallel_loop3A_167, %parallel_loop3A_168, %parallel_loop3A_169, %parallel_loop3A_170] {strides = array<i32>} : memref<13x4x1x8x64xf32, #tpu.memory_space<vmem>>, vector<16xf32>,
        tpu.vector_store %arg10[%parallel_loop3A_166, %parallel_loop3A_167, %parallel_loop3A_168, %parallel_loop3A_169, %parallel_loop3A_170], %parallel_loop3A_160 {strides = array<i32>} : memref<13x4x1x8x64xf32, #tpu.memory_space<vmem>>, vector<16xf32>,
      } {sc.loop_unroll_factor = 8 : i64, sc.parallel_access}
      %shift_right_arithmetic3A = arith.constant 2 : i32
      %shift_right_arithmetic3A_42 = arith.shrsi %add3A_27, %shift_right_arithmetic3A : i32
      %shift_right_arithmetic3A_43 = arith.constant 1 : i32
      %shift_right_arithmetic3A_44 = arith.shrsi %add3A_27, %shift_right_arithmetic3A_43 : i32
      %and3A = arith.constant 1 : i32
      %and3A_45 = arith.andi %shift_right_arithmetic3A_44, %and3A : i32
      %mul3A_46 = arith.constant 13 : i32
      %mul3A_47 = arith.muli %and3A_45, %mul3A_46 : i32
      %and3A_48 = arith.constant 1 : i32
      %and3A_49 = arith.andi %add3A_27, %and3A_48 : i32
      %mul3A_50 = arith.constant 64 : i32
      %mul3A_51 = arith.muli %and3A_49, %mul3A_50 : i32
      %scan3A_52 = arith.constant 0 : i32
      %scan3A_53 = arith.constant 13 : i32
      %scan3A_54 = arith.addi %scan3A_52, %scan3A_53 : i32
      %scan3A_55 = arith.constant 1 : i32
      scf.for %scan3A_94 = %scan3A_52 to %scan3A_54 step %scan3A_55  : i32 {
        %mul3A_95 = arith.constant 1 : i32
        %mul3A_96 = arith.muli %scan3A_94, %mul3A_95 : i32
        %add3A_97 = arith.constant 0 : i32
        %add3A_98 = arith.addi %add3A_97, %mul3A_96 : i32
        %add3A_99 = arith.addi %mul3A_47, %add3A_98 : i32
        %mul3A_100 = arith.constant 4 : i32
        %mul3A_101 = arith.muli %add3A, %mul3A_100 : i32
        %add3A_102 = arith.addi %mul3A_101, %shift_right_arithmetic3A_42 : i32
        %dma_start3A_103 = arith.constant 0 : i32
        %dma_start3A_104 = arith.constant 0 : i32
        %dma_start3A_105 = arith.constant 0 : i32
        %dma_start3A_106 = arith.constant 0 : i32
        %dma_start3A_107 = tpu.memref_slice %arg10[%add3A_98, %dma_start3A_103, %dma_start3A_104, %dma_start3A_105, %dma_start3A_106] : memref<13x4x1x8x64xf32, #tpu.memory_space<vmem>> -> memref<1x4x1x8x64xf32, #tpu.memory_space<vmem>>
        %dma_start3A_108 = arith.constant 0 : i32
        %dma_start3A_109 = arith.constant 0 : i32
        %dma_start3A_110 = tpu.memref_slice %arg4[%add3A_99, %dma_start3A_108, %add3A_102, %dma_start3A_109, %mul3A_51] : memref<26x4x128x8x128xf32, #tpu.memory_space<hbm>> -> memref<1x4x1x8x64xf32, #tpu.memory_space<hbm>>
        %dma_start3A_111 = arith.constant 0 : i32
        %dma_start3A_112 = arith.constant 0 : i32
        %dma_start3A_113 = tpu.memref_slice %arg4[%add3A_99, %dma_start3A_111, %add3A_102, %dma_start3A_112, %mul3A_51] : memref<26x4x128x8x128xf32, #tpu.memory_space<hbm>> -> memref<1x4x1x8x64xf32, #tpu.memory_space<hbm>>
        %dma_start3A_114 = arith.constant 0 : i32
        %dma_start3A_115 = arith.constant 0 : i32
        %dma_start3A_116 = arith.constant 0 : i32
        %dma_start3A_117 = arith.constant 0 : i32
        %dma_start3A_118 = tpu.memref_slice %arg10[%add3A_98, %dma_start3A_114, %dma_start3A_115, %dma_start3A_116, %dma_start3A_117] : memref<13x4x1x8x64xf32, #tpu.memory_space<vmem>> -> memref<1x4x1x8x64xf32, #tpu.memory_space<vmem>>
        tpu.enqueue_dma source(%dma_start3A_118 : memref<1x4x1x8x64xf32, #tpu.memory_space<vmem>>) target(%dma_start3A_113 : memref<1x4x1x8x64xf32, #tpu.memory_space<hbm>>) target_semaphore(%arg14 : memref<!tpu.dma_semaphore, #tpu.memory_space<semaphore_mem>>)
      }
      %scan3A_56 = arith.constant 13 : i32
      %add3A_57 = arith.constant 1 : i32
      %add3A_58 = arith.addi %add3A_25, %add3A_57 : i32
      %add3A_59 = arith.constant 1 : i32
      %add3A_60 = arith.addi %add3A_58, %add3A_59 : i32
      %lt3A_61 = arith.constant 16 : i32
      %lt3A_62 = arith.cmpi slt, %add3A_60, %lt3A_61 : i32
      %convert_element_type3A_63 = arith.extui %lt3A_62 : i1 to i32
      %cond3A_64 = arith.constant 0 : i32
      %cond3A_65 = arith.cmpi ne, %convert_element_type3A_63, %cond3A_64 : i32
      scf.if %cond3A_65 {
        %shift_right_arithmetic3A_94 = arith.constant 2 : i32
        %shift_right_arithmetic3A_95 = arith.shrsi %add3A_60, %shift_right_arithmetic3A_94 : i32
        %shift_right_arithmetic3A_96 = arith.constant 1 : i32
        %shift_right_arithmetic3A_97 = arith.shrsi %add3A_60, %shift_right_arithmetic3A_96 : i32
        %and3A_98 = arith.constant 1 : i32
        %and3A_99 = arith.andi %shift_right_arithmetic3A_97, %and3A_98 : i32
        %mul3A_100 = arith.constant 13 : i32
        %mul3A_101 = arith.muli %and3A_99, %mul3A_100 : i32
        %and3A_102 = arith.constant 1 : i32
        %and3A_103 = arith.andi %add3A_60, %and3A_102 : i32
        %mul3A_104 = arith.constant 64 : i32
        %mul3A_105 = arith.muli %and3A_103, %mul3A_104 : i32
        %parallel_loop3A_106 = arith.constant 0 : i32
        %parallel_loop3A_107 = arith.constant 13 : i32
        %parallel_loop3A_108 = arith.constant 1 : i32
        scf.for %parallel_loop3A_109 = %parallel_loop3A_106 to %parallel_loop3A_107 step %parallel_loop3A_108  : i32 {
          %parallel_loop3A_110 = arith.addi %mul3A_101, %parallel_loop3A_109 : i32
          %parallel_loop3A_111 = vector.broadcast %parallel_loop3A_110 : i32 to vector<16xi32>
          %parallel_loop3A_112 = arith.constant 128 : i32
          %parallel_loop3A_113 = arith.muli %shift_right_arithmetic3A_95, %parallel_loop3A_112 : i32
          %parallel_loop3A_114 = arith.addi %parallel_loop3A_113, %mul3A_105 : i32
          %parallel_loop3A_115 = arith.constant 0 : i32
          %parallel_loop3A_116 = arith.addi %parallel_loop3A_114, %parallel_loop3A_115 : i32
          %parallel_loop3A_117 = vector.broadcast %parallel_loop3A_116 : i32 to vector<16xi32>
          %parallel_loop3A_118 = arith.addi %parallel_loop3A_117, %iota3A : vector<16xi32>
          %parallel_loop3A_119 = tpu.vector_load_idx %arg5[%parallel_loop3A_118, %parallel_loop3A_111] : memref<512x26xi32, #tpu.memory_space<vmem>>[vector<16xi32>, vector<16xi32>], vector<16xi32>,
          %parallel_loop3A_120 = arith.constant 64 : i32
          %parallel_loop3A_121 = arith.muli %parallel_loop3A_109, %parallel_loop3A_120 : i32
          %parallel_loop3A_122 = arith.constant 0 : i32
          %parallel_loop3A_123 = arith.addi %parallel_loop3A_121, %parallel_loop3A_122 : i32
          %parallel_loop3A_124 = arith.index_cast %parallel_loop3A_123 : i32 to index
          %parallel_loop3A_125 = tpu.vector_load %arg6[%parallel_loop3A_124] {strides = array<i32>} : memref<832xi32, #tpu.memory_space<vmem>>, vector<16xi32>,
          tpu.vector_store %arg6[%parallel_loop3A_124], %parallel_loop3A_119 {strides = array<i32>} : memref<832xi32, #tpu.memory_space<vmem>>, vector<16xi32>,
          %parallel_loop3A_126 = arith.constant 128 : i32
          %parallel_loop3A_127 = arith.muli %shift_right_arithmetic3A_95, %parallel_loop3A_126 : i32
          %parallel_loop3A_128 = arith.addi %parallel_loop3A_127, %mul3A_105 : i32
          %parallel_loop3A_129 = arith.constant 16 : i32
          %parallel_loop3A_130 = arith.addi %parallel_loop3A_128, %parallel_loop3A_129 : i32
          %parallel_loop3A_131 = vector.broadcast %parallel_loop3A_130 : i32 to vector<16xi32>
          %parallel_loop3A_132 = arith.addi %parallel_loop3A_131, %iota3A : vector<16xi32>
          %parallel_loop3A_133 = tpu.vector_load_idx %arg5[%parallel_loop3A_132, %parallel_loop3A_111] : memref<512x26xi32, #tpu.memory_space<vmem>>[vector<16xi32>, vector<16xi32>], vector<16xi32>,
          %parallel_loop3A_134 = arith.constant 64 : i32
          %parallel_loop3A_135 = arith.muli %parallel_loop3A_109, %parallel_loop3A_134 : i32
          %parallel_loop3A_136 = arith.constant 16 : i32
          %parallel_loop3A_137 = arith.addi %parallel_loop3A_135, %parallel_loop3A_136 : i32
          %parallel_loop3A_138 = arith.index_cast %parallel_loop3A_137 : i32 to index
          %parallel_loop3A_139 = tpu.vector_load %arg6[%parallel_loop3A_138] {strides = array<i32>} : memref<832xi32, #tpu.memory_space<vmem>>, vector<16xi32>,
          tpu.vector_store %arg6[%parallel_loop3A_138], %parallel_loop3A_133 {strides = array<i32>} : memref<832xi32, #tpu.memory_space<vmem>>, vector<16xi32>,
          %parallel_loop3A_140 = arith.constant 128 : i32
          %parallel_loop3A_141 = arith.muli %shift_right_arithmetic3A_95, %parallel_loop3A_140 : i32
          %parallel_loop3A_142 = arith.addi %parallel_loop3A_141, %mul3A_105 : i32
          %parallel_loop3A_143 = arith.constant 32 : i32
          %parallel_loop3A_144 = arith.addi %parallel_loop3A_142, %parallel_loop3A_143 : i32
          %parallel_loop3A_145 = vector.broadcast %parallel_loop3A_144 : i32 to vector<16xi32>
          %parallel_loop3A_146 = arith.addi %parallel_loop3A_145, %iota3A : vector<16xi32>
          %parallel_loop3A_147 = tpu.vector_load_idx %arg5[%parallel_loop3A_146, %parallel_loop3A_111] : memref<512x26xi32, #tpu.memory_space<vmem>>[vector<16xi32>, vector<16xi32>], vector<16xi32>,
          %parallel_loop3A_148 = arith.constant 64 : i32
          %parallel_loop3A_149 = arith.muli %parallel_loop3A_109, %parallel_loop3A_148 : i32
          %parallel_loop3A_150 = arith.constant 32 : i32
          %parallel_loop3A_151 = arith.addi %parallel_loop3A_149, %parallel_loop3A_150 : i32
          %parallel_loop3A_152 = arith.index_cast %parallel_loop3A_151 : i32 to index
          %parallel_loop3A_153 = tpu.vector_load %arg6[%parallel_loop3A_152] {strides = array<i32>} : memref<832xi32, #tpu.memory_space<vmem>>, vector<16xi32>,
          tpu.vector_store %arg6[%parallel_loop3A_152], %parallel_loop3A_147 {strides = array<i32>} : memref<832xi32, #tpu.memory_space<vmem>>, vector<16xi32>,
          %parallel_loop3A_154 = arith.constant 128 : i32
          %parallel_loop3A_155 = arith.muli %shift_right_arithmetic3A_95, %parallel_loop3A_154 : i32
          %parallel_loop3A_156 = arith.addi %parallel_loop3A_155, %mul3A_105 : i32
          %parallel_loop3A_157 = arith.constant 48 : i32
          %parallel_loop3A_158 = arith.addi %parallel_loop3A_156, %parallel_loop3A_157 : i32
          %parallel_loop3A_159 = vector.broadcast %parallel_loop3A_158 : i32 to vector<16xi32>
          %parallel_loop3A_160 = arith.addi %parallel_loop3A_159, %iota3A : vector<16xi32>
          %parallel_loop3A_161 = tpu.vector_load_idx %arg5[%parallel_loop3A_160, %parallel_loop3A_111] : memref<512x26xi32, #tpu.memory_space<vmem>>[vector<16xi32>, vector<16xi32>], vector<16xi32>,
          %parallel_loop3A_162 = arith.constant 64 : i32
          %parallel_loop3A_163 = arith.muli %parallel_loop3A_109, %parallel_loop3A_162 : i32
          %parallel_loop3A_164 = arith.constant 48 : i32
          %parallel_loop3A_165 = arith.addi %parallel_loop3A_163, %parallel_loop3A_164 : i32
          %parallel_loop3A_166 = arith.index_cast %parallel_loop3A_165 : i32 to index
          %parallel_loop3A_167 = tpu.vector_load %arg6[%parallel_loop3A_166] {strides = array<i32>} : memref<832xi32, #tpu.memory_space<vmem>>, vector<16xi32>,
          tpu.vector_store %arg6[%parallel_loop3A_166], %parallel_loop3A_161 {strides = array<i32>} : memref<832xi32, #tpu.memory_space<vmem>>, vector<16xi32>,
        } {sc.loop_unroll_factor = 4 : i64, sc.parallel_access}
      } else {
      }
      %dma_wait3A_66 = arith.constant 0 : i32
      %dma_wait3A_67 = arith.constant 0 : i32
      %dma_wait3A_68 = tpu.memref_slice %arg3[%dma_wait3A_66, %dma_wait3A_67] : memref<1000000x32xf32, #tpu.memory_space<hbm>> -> memref<1000000x32xf32, #tpu.memory_space<hbm>>
      tpu.wait_indirect_dma semaphore(%arg13 : memref<!tpu.dma_semaphore, #tpu.memory_space<semaphore_mem>>) src(%dma_wait3A_68 : memref<1000000x32xf32, #tpu.memory_space<hbm>>) dst(%arg9 : memref<832x32xf32, #tpu.memory_space<vmem>>)
      %lt3A_69 = arith.constant 16 : i32
      %lt3A_70 = arith.cmpi slt, %add3A_60, %lt3A_69 : i32
      %convert_element_type3A_71 = arith.extui %lt3A_70 : i1 to i32
      %cond3A_72 = arith.constant 0 : i32
      %cond3A_73 = arith.cmpi ne, %convert_element_type3A_71, %cond3A_72 : i32
      scf.if %cond3A_73 {
        %gt3A = arith.constant 0 : i32
        %gt3A_94 = arith.cmpi sgt, %add3A_58, %gt3A : i32
        %convert_element_type3A_95 = arith.extui %gt3A_94 : i1 to i32
        %cond3A_96 = arith.constant 0 : i32
        %cond3A_97 = arith.cmpi ne, %convert_element_type3A_95, %cond3A_96 : i32
        scf.if %cond3A_97 {
          %sub3A = arith.constant 1 : i32
          %sub3A_101 = arith.subi %add3A_58, %sub3A : i32
          %shift_right_arithmetic3A_102 = arith.constant 2 : i32
          %shift_right_arithmetic3A_103 = arith.shrsi %sub3A_101, %shift_right_arithmetic3A_102 : i32
          %shift_right_arithmetic3A_104 = arith.constant 1 : i32
          %shift_right_arithmetic3A_105 = arith.shrsi %sub3A_101, %shift_right_arithmetic3A_104 : i32
          %and3A_106 = arith.constant 1 : i32
          %and3A_107 = arith.andi %shift_right_arithmetic3A_105, %and3A_106 : i32
          %mul3A_108 = arith.constant 13 : i32
          %mul3A_109 = arith.muli %and3A_107, %mul3A_108 : i32
          %and3A_110 = arith.constant 1 : i32
          %and3A_111 = arith.andi %sub3A_101, %and3A_110 : i32
          %mul3A_112 = arith.constant 64 : i32
          %mul3A_113 = arith.muli %and3A_111, %mul3A_112 : i32
          %scan3A_114 = arith.constant 0 : i32
          %scan3A_115 = arith.constant 13 : i32
          %scan3A_116 = arith.addi %scan3A_114, %scan3A_115 : i32
          %scan3A_117 = arith.constant 1 : i32
          scf.for %scan3A_119 = %scan3A_114 to %scan3A_116 step %scan3A_117  : i32 {
            %mul3A_120 = arith.constant 1 : i32
            %mul3A_121 = arith.muli %scan3A_119, %mul3A_120 : i32
            %add3A_122 = arith.constant 0 : i32
            %add3A_123 = arith.addi %add3A_122, %mul3A_121 : i32
            %add3A_124 = arith.addi %mul3A_109, %add3A_123 : i32
            %mul3A_125 = arith.constant 4 : i32
            %mul3A_126 = arith.muli %add3A, %mul3A_125 : i32
            %add3A_127 = arith.addi %mul3A_126, %shift_right_arithmetic3A_103 : i32
            %dma_wait3A_128 = arith.constant 0 : i32
            %dma_wait3A_129 = arith.constant 0 : i32
            %dma_wait3A_130 = arith.constant 0 : i32
            %dma_wait3A_131 = arith.constant 0 : i32
            %dma_wait3A_132 = tpu.memref_slice %arg10[%add3A_123, %dma_wait3A_128, %dma_wait3A_129, %dma_wait3A_130, %dma_wait3A_131] : memref<13x4x1x8x64xf32, #tpu.memory_space<vmem>> -> memref<1x4x1x8x64xf32, #tpu.memory_space<vmem>>
            %dma_wait3A_133 = arith.constant 0 : i32
            %dma_wait3A_134 = arith.constant 0 : i32
            %dma_wait3A_135 = tpu.memref_slice %arg4[%add3A_124, %dma_wait3A_133, %add3A_127, %dma_wait3A_134, %mul3A_113] : memref<26x4x128x8x128xf32, #tpu.memory_space<hbm>> -> memref<1x4x1x8x64xf32, #tpu.memory_space<hbm>>
            %dma_wait3A_136 = arith.constant 0 : i32
            %dma_wait3A_137 = arith.constant 0 : i32
            %dma_wait3A_138 = tpu.memref_slice %arg4[%add3A_124, %dma_wait3A_136, %add3A_127, %dma_wait3A_137, %mul3A_113] : memref<26x4x128x8x128xf32, #tpu.memory_space<hbm>> -> memref<1x4x1x8x64xf32, #tpu.memory_space<hbm>>
            %dma_wait3A_139 = arith.constant 0 : i32
            %dma_wait3A_140 = arith.constant 0 : i32
            %dma_wait3A_141 = arith.constant 0 : i32
            %dma_wait3A_142 = arith.constant 0 : i32
            %dma_wait3A_143 = tpu.memref_slice %arg10[%add3A_123, %dma_wait3A_139, %dma_wait3A_140, %dma_wait3A_141, %dma_wait3A_142] : memref<13x4x1x8x64xf32, #tpu.memory_space<vmem>> -> memref<1x4x1x8x64xf32, #tpu.memory_space<vmem>>
            tpu.wait_dma2 semaphore(%arg14 : memref<!tpu.dma_semaphore, #tpu.memory_space<semaphore_mem>>) src(%dma_wait3A_143 : memref<1x4x1x8x64xf32, #tpu.memory_space<vmem>>) dst(%dma_wait3A_138 : memref<1x4x1x8x64xf32, #tpu.memory_space<hbm>>)
          }
          %scan3A_118 = arith.constant 13 : i32
        } else {
        }
        %dma_start3A_98 = arith.constant 0 : i32
        %dma_start3A_99 = arith.constant 0 : i32
        %dma_start3A_100 = tpu.memref_slice %arg3[%dma_start3A_98, %dma_start3A_99] : memref<1000000x32xf32, #tpu.memory_space<hbm>> -> memref<1000000x32xf32, #tpu.memory_space<hbm>>
        tpu.enqueue_indirect_dma source(%dma_start3A_100 : memref<1000000x32xf32, #tpu.memory_space<hbm>>) target(%arg8 : memref<832x32xf32, #tpu.memory_space<vmem>>) offsets(%arg6 : memref<832xi32, #tpu.memory_space<vmem>>) semaphore(%arg12 : memref<!tpu.dma_semaphore, #tpu.memory_space<semaphore_mem>>)
      } else {
      }
      %parallel_loop3A_74 = arith.constant 0 : i32
      %parallel_loop3A_75 = arith.constant 416 : i32
      %parallel_loop3A_76 = arith.constant 1 : i32
      scf.for %parallel_loop3A_94 = %parallel_loop3A_74 to %parallel_loop3A_75 step %parallel_loop3A_76  : i32 {
        %parallel_loop3A_95 = arith.constant 5 : i32
        %parallel_loop3A_96 = arith.shrsi %parallel_loop3A_94, %parallel_loop3A_95 : i32
        %parallel_loop3A_97 = arith.constant 31 : i32
        %parallel_loop3A_98 = arith.andi %parallel_loop3A_94, %parallel_loop3A_97 : i32
        %parallel_loop3A_99 = vector.broadcast %parallel_loop3A_98 : i32 to vector<16xi32>
        %parallel_loop3A_100 = arith.constant 64 : i32
        %parallel_loop3A_101 = arith.muli %parallel_loop3A_96, %parallel_loop3A_100 : i32
        %parallel_loop3A_102 = arith.constant 0 : i32
        %parallel_loop3A_103 = arith.addi %parallel_loop3A_101, %parallel_loop3A_102 : i32
        %parallel_loop3A_104 = vector.broadcast %parallel_loop3A_103 : i32 to vector<16xi32>
        %parallel_loop3A_105 = arith.addi %parallel_loop3A_104, %iota3A : vector<16xi32>
        %parallel_loop3A_106 = tpu.vector_load_idx %arg9[%parallel_loop3A_105, %parallel_loop3A_99] : memref<832x32xf32, #tpu.memory_space<vmem>>[vector<16xi32>, vector<16xi32>], vector<16xf32>,
        %parallel_loop3A_107 = arith.constant 3 : i32
        %parallel_loop3A_108 = arith.shrsi %parallel_loop3A_98, %parallel_loop3A_107 : i32
        %parallel_loop3A_109 = arith.constant 7 : i32
        %parallel_loop3A_110 = arith.andi %parallel_loop3A_98, %parallel_loop3A_109 : i32
        %parallel_loop3A_111 = arith.constant 0 : i32
        %parallel_loop3A_112 = arith.index_cast %parallel_loop3A_96 : i32 to index
        %parallel_loop3A_113 = arith.index_cast %parallel_loop3A_108 : i32 to index
        %parallel_loop3A_114 = arith.index_cast %parallel_loop3A_111 : i32 to index
        %parallel_loop3A_115 = arith.index_cast %parallel_loop3A_110 : i32 to index
        %parallel_loop3A_116 = arith.constant 0 : index
        %parallel_loop3A_117 = tpu.vector_load %arg11[%parallel_loop3A_112, %parallel_loop3A_113, %parallel_loop3A_114, %parallel_loop3A_115, %parallel_loop3A_116] {strides = array<i32>} : memref<13x4x1x8x64xf32, #tpu.memory_space<vmem>>, vector<16xf32>,
        tpu.vector_store %arg11[%parallel_loop3A_112, %parallel_loop3A_113, %parallel_loop3A_114, %parallel_loop3A_115, %parallel_loop3A_116], %parallel_loop3A_106 {strides = array<i32>} : memref<13x4x1x8x64xf32, #tpu.memory_space<vmem>>, vector<16xf32>,
        %parallel_loop3A_118 = arith.constant 64 : i32
        %parallel_loop3A_119 = arith.muli %parallel_loop3A_96, %parallel_loop3A_118 : i32
        %parallel_loop3A_120 = arith.constant 16 : i32
        %parallel_loop3A_121 = arith.addi %parallel_loop3A_119, %parallel_loop3A_120 : i32
        %parallel_loop3A_122 = vector.broadcast %parallel_loop3A_121 : i32 to vector<16xi32>
        %parallel_loop3A_123 = arith.addi %parallel_loop3A_122, %iota3A : vector<16xi32>
        %parallel_loop3A_124 = tpu.vector_load_idx %arg9[%parallel_loop3A_123, %parallel_loop3A_99] : memref<832x32xf32, #tpu.memory_space<vmem>>[vector<16xi32>, vector<16xi32>], vector<16xf32>,
        %parallel_loop3A_125 = arith.constant 3 : i32
        %parallel_loop3A_126 = arith.shrsi %parallel_loop3A_98, %parallel_loop3A_125 : i32
        %parallel_loop3A_127 = arith.constant 7 : i32
        %parallel_loop3A_128 = arith.andi %parallel_loop3A_98, %parallel_loop3A_127 : i32
        %parallel_loop3A_129 = arith.constant 0 : i32
        %parallel_loop3A_130 = arith.index_cast %parallel_loop3A_96 : i32 to index
        %parallel_loop3A_131 = arith.index_cast %parallel_loop3A_126 : i32 to index
        %parallel_loop3A_132 = arith.index_cast %parallel_loop3A_129 : i32 to index
        %parallel_loop3A_133 = arith.index_cast %parallel_loop3A_128 : i32 to index
        %parallel_loop3A_134 = arith.constant 16 : index
        %parallel_loop3A_135 = tpu.vector_load %arg11[%parallel_loop3A_130, %parallel_loop3A_131, %parallel_loop3A_132, %parallel_loop3A_133, %parallel_loop3A_134] {strides = array<i32>} : memref<13x4x1x8x64xf32, #tpu.memory_space<vmem>>, vector<16xf32>,
        tpu.vector_store %arg11[%parallel_loop3A_130, %parallel_loop3A_131, %parallel_loop3A_132, %parallel_loop3A_133, %parallel_loop3A_134], %parallel_loop3A_124 {strides = array<i32>} : memref<13x4x1x8x64xf32, #tpu.memory_space<vmem>>, vector<16xf32>,
        %parallel_loop3A_136 = arith.constant 64 : i32
        %parallel_loop3A_137 = arith.muli %parallel_loop3A_96, %parallel_loop3A_136 : i32
        %parallel_loop3A_138 = arith.constant 32 : i32
        %parallel_loop3A_139 = arith.addi %parallel_loop3A_137, %parallel_loop3A_138 : i32
        %parallel_loop3A_140 = vector.broadcast %parallel_loop3A_139 : i32 to vector<16xi32>
        %parallel_loop3A_141 = arith.addi %parallel_loop3A_140, %iota3A : vector<16xi32>
        %parallel_loop3A_142 = tpu.vector_load_idx %arg9[%parallel_loop3A_141, %parallel_loop3A_99] : memref<832x32xf32, #tpu.memory_space<vmem>>[vector<16xi32>, vector<16xi32>], vector<16xf32>,
        %parallel_loop3A_143 = arith.constant 3 : i32
        %parallel_loop3A_144 = arith.shrsi %parallel_loop3A_98, %parallel_loop3A_143 : i32
        %parallel_loop3A_145 = arith.constant 7 : i32
        %parallel_loop3A_146 = arith.andi %parallel_loop3A_98, %parallel_loop3A_145 : i32
        %parallel_loop3A_147 = arith.constant 0 : i32
        %parallel_loop3A_148 = arith.index_cast %parallel_loop3A_96 : i32 to index
        %parallel_loop3A_149 = arith.index_cast %parallel_loop3A_144 : i32 to index
        %parallel_loop3A_150 = arith.index_cast %parallel_loop3A_147 : i32 to index
        %parallel_loop3A_151 = arith.index_cast %parallel_loop3A_146 : i32 to index
        %parallel_loop3A_152 = arith.constant 32 : index
        %parallel_loop3A_153 = tpu.vector_load %arg11[%parallel_loop3A_148, %parallel_loop3A_149, %parallel_loop3A_150, %parallel_loop3A_151, %parallel_loop3A_152] {strides = array<i32>} : memref<13x4x1x8x64xf32, #tpu.memory_space<vmem>>, vector<16xf32>,
        tpu.vector_store %arg11[%parallel_loop3A_148, %parallel_loop3A_149, %parallel_loop3A_150, %parallel_loop3A_151, %parallel_loop3A_152], %parallel_loop3A_142 {strides = array<i32>} : memref<13x4x1x8x64xf32, #tpu.memory_space<vmem>>, vector<16xf32>,
        %parallel_loop3A_154 = arith.constant 64 : i32
        %parallel_loop3A_155 = arith.muli %parallel_loop3A_96, %parallel_loop3A_154 : i32
        %parallel_loop3A_156 = arith.constant 48 : i32
        %parallel_loop3A_157 = arith.addi %parallel_loop3A_155, %parallel_loop3A_156 : i32
        %parallel_loop3A_158 = vector.broadcast %parallel_loop3A_157 : i32 to vector<16xi32>
        %parallel_loop3A_159 = arith.addi %parallel_loop3A_158, %iota3A : vector<16xi32>
        %parallel_loop3A_160 = tpu.vector_load_idx %arg9[%parallel_loop3A_159, %parallel_loop3A_99] : memref<832x32xf32, #tpu.memory_space<vmem>>[vector<16xi32>, vector<16xi32>], vector<16xf32>,
        %parallel_loop3A_161 = arith.constant 3 : i32
        %parallel_loop3A_162 = arith.shrsi %parallel_loop3A_98, %parallel_loop3A_161 : i32
        %parallel_loop3A_163 = arith.constant 7 : i32
        %parallel_loop3A_164 = arith.andi %parallel_loop3A_98, %parallel_loop3A_163 : i32
        %parallel_loop3A_165 = arith.constant 0 : i32
        %parallel_loop3A_166 = arith.index_cast %parallel_loop3A_96 : i32 to index
        %parallel_loop3A_167 = arith.index_cast %parallel_loop3A_162 : i32 to index
        %parallel_loop3A_168 = arith.index_cast %parallel_loop3A_165 : i32 to index
        %parallel_loop3A_169 = arith.index_cast %parallel_loop3A_164 : i32 to index
        %parallel_loop3A_170 = arith.constant 48 : index
        %parallel_loop3A_171 = tpu.vector_load %arg11[%parallel_loop3A_166, %parallel_loop3A_167, %parallel_loop3A_168, %parallel_loop3A_169, %parallel_loop3A_170] {strides = array<i32>} : memref<13x4x1x8x64xf32, #tpu.memory_space<vmem>>, vector<16xf32>,
        tpu.vector_store %arg11[%parallel_loop3A_166, %parallel_loop3A_167, %parallel_loop3A_168, %parallel_loop3A_169, %parallel_loop3A_170], %parallel_loop3A_160 {strides = array<i32>} : memref<13x4x1x8x64xf32, #tpu.memory_space<vmem>>, vector<16xf32>,
      } {sc.loop_unroll_factor = 8 : i64, sc.parallel_access}
      %shift_right_arithmetic3A_77 = arith.constant 2 : i32
      %shift_right_arithmetic3A_78 = arith.shrsi %add3A_58, %shift_right_arithmetic3A_77 : i32
      %shift_right_arithmetic3A_79 = arith.constant 1 : i32
      %shift_right_arithmetic3A_80 = arith.shrsi %add3A_58, %shift_right_arithmetic3A_79 : i32
      %and3A_81 = arith.constant 1 : i32
      %and3A_82 = arith.andi %shift_right_arithmetic3A_80, %and3A_81 : i32
      %mul3A_83 = arith.constant 13 : i32
      %mul3A_84 = arith.muli %and3A_82, %mul3A_83 : i32
      %and3A_85 = arith.constant 1 : i32
      %and3A_86 = arith.andi %add3A_58, %and3A_85 : i32
      %mul3A_87 = arith.constant 64 : i32
      %mul3A_88 = arith.muli %and3A_86, %mul3A_87 : i32
      %scan3A_89 = arith.constant 0 : i32
      %scan3A_90 = arith.constant 13 : i32
      %scan3A_91 = arith.addi %scan3A_89, %scan3A_90 : i32
      %scan3A_92 = arith.constant 1 : i32
      scf.for %scan3A_94 = %scan3A_89 to %scan3A_91 step %scan3A_92  : i32 {
        %mul3A_95 = arith.constant 1 : i32
        %mul3A_96 = arith.muli %scan3A_94, %mul3A_95 : i32
        %add3A_97 = arith.constant 0 : i32
        %add3A_98 = arith.addi %add3A_97, %mul3A_96 : i32
        %add3A_99 = arith.addi %mul3A_84, %add3A_98 : i32
        %mul3A_100 = arith.constant 4 : i32
        %mul3A_101 = arith.muli %add3A, %mul3A_100 : i32
        %add3A_102 = arith.addi %mul3A_101, %shift_right_arithmetic3A_78 : i32
        %dma_start3A_103 = arith.constant 0 : i32
        %dma_start3A_104 = arith.constant 0 : i32
        %dma_start3A_105 = arith.constant 0 : i32
        %dma_start3A_106 = arith.constant 0 : i32
        %dma_start3A_107 = tpu.memref_slice %arg11[%add3A_98, %dma_start3A_103, %dma_start3A_104, %dma_start3A_105, %dma_start3A_106] : memref<13x4x1x8x64xf32, #tpu.memory_space<vmem>> -> memref<1x4x1x8x64xf32, #tpu.memory_space<vmem>>
        %dma_start3A_108 = arith.constant 0 : i32
        %dma_start3A_109 = arith.constant 0 : i32
        %dma_start3A_110 = tpu.memref_slice %arg4[%add3A_99, %dma_start3A_108, %add3A_102, %dma_start3A_109, %mul3A_88] : memref<26x4x128x8x128xf32, #tpu.memory_space<hbm>> -> memref<1x4x1x8x64xf32, #tpu.memory_space<hbm>>
        %dma_start3A_111 = arith.constant 0 : i32
        %dma_start3A_112 = arith.constant 0 : i32
        %dma_start3A_113 = tpu.memref_slice %arg4[%add3A_99, %dma_start3A_111, %add3A_102, %dma_start3A_112, %mul3A_88] : memref<26x4x128x8x128xf32, #tpu.memory_space<hbm>> -> memref<1x4x1x8x64xf32, #tpu.memory_space<hbm>>
        %dma_start3A_114 = arith.constant 0 : i32
        %dma_start3A_115 = arith.constant 0 : i32
        %dma_start3A_116 = arith.constant 0 : i32
        %dma_start3A_117 = arith.constant 0 : i32
        %dma_start3A_118 = tpu.memref_slice %arg11[%add3A_98, %dma_start3A_114, %dma_start3A_115, %dma_start3A_116, %dma_start3A_117] : memref<13x4x1x8x64xf32, #tpu.memory_space<vmem>> -> memref<1x4x1x8x64xf32, #tpu.memory_space<vmem>>
        tpu.enqueue_dma source(%dma_start3A_118 : memref<1x4x1x8x64xf32, #tpu.memory_space<vmem>>) target(%dma_start3A_113 : memref<1x4x1x8x64xf32, #tpu.memory_space<hbm>>) target_semaphore(%arg15 : memref<!tpu.dma_semaphore, #tpu.memory_space<semaphore_mem>>)
      }
      %scan3A_93 = arith.constant 13 : i32
    }
    %scan3A_10 = arith.constant 8 : i32
    %scan3A_11 = arith.constant 0 : i32
    %scan3A_12 = arith.constant 13 : i32
    %scan3A_13 = arith.addi %scan3A_11, %scan3A_12 : i32
    %scan3A_14 = arith.constant 1 : i32
    scf.for %scan3A_21 = %scan3A_11 to %scan3A_13 step %scan3A_14  : i32 {
      %mul3A_22 = arith.constant 1 : i32
      %mul3A_23 = arith.muli %scan3A_21, %mul3A_22 : i32
      %add3A_24 = arith.constant 0 : i32
      %add3A_25 = arith.addi %add3A_24, %mul3A_23 : i32
      %add3A_26 = arith.constant 13 : i32
      %add3A_27 = arith.addi %add3A_26, %add3A_25 : i32
      %mul3A_28 = arith.constant 4 : i32
      %mul3A_29 = arith.muli %add3A, %mul3A_28 : i32
      %add3A_30 = arith.constant 3 : i32
      %add3A_31 = arith.addi %mul3A_29, %add3A_30 : i32
      %dma_wait3A = arith.constant 0 : i32
      %dma_wait3A_32 = arith.constant 0 : i32
      %dma_wait3A_33 = arith.constant 0 : i32
      %dma_wait3A_34 = arith.constant 0 : i32
      %dma_wait3A_35 = tpu.memref_slice %arg10[%add3A_25, %dma_wait3A, %dma_wait3A_32, %dma_wait3A_33, %dma_wait3A_34] : memref<13x4x1x8x64xf32, #tpu.memory_space<vmem>> -> memref<1x4x1x8x64xf32, #tpu.memory_space<vmem>>
      %dma_wait3A_36 = arith.constant 0 : i32
      %dma_wait3A_37 = arith.constant 0 : i32
      %dma_wait3A_38 = arith.constant 0 : i32
      %dma_wait3A_39 = tpu.memref_slice %arg4[%add3A_27, %dma_wait3A_36, %add3A_31, %dma_wait3A_37, %dma_wait3A_38] : memref<26x4x128x8x128xf32, #tpu.memory_space<hbm>> -> memref<1x4x1x8x64xf32, #tpu.memory_space<hbm>>
      %dma_wait3A_40 = arith.constant 0 : i32
      %dma_wait3A_41 = arith.constant 0 : i32
      %dma_wait3A_42 = arith.constant 0 : i32
      %dma_wait3A_43 = tpu.memref_slice %arg4[%add3A_27, %dma_wait3A_40, %add3A_31, %dma_wait3A_41, %dma_wait3A_42] : memref<26x4x128x8x128xf32, #tpu.memory_space<hbm>> -> memref<1x4x1x8x64xf32, #tpu.memory_space<hbm>>
      %dma_wait3A_44 = arith.constant 0 : i32
      %dma_wait3A_45 = arith.constant 0 : i32
      %dma_wait3A_46 = arith.constant 0 : i32
      %dma_wait3A_47 = arith.constant 0 : i32
      %dma_wait3A_48 = tpu.memref_slice %arg10[%add3A_25, %dma_wait3A_44, %dma_wait3A_45, %dma_wait3A_46, %dma_wait3A_47] : memref<13x4x1x8x64xf32, #tpu.memory_space<vmem>> -> memref<1x4x1x8x64xf32, #tpu.memory_space<vmem>>
      tpu.wait_dma2 semaphore(%arg14 : memref<!tpu.dma_semaphore, #tpu.memory_space<semaphore_mem>>) src(%dma_wait3A_48 : memref<1x4x1x8x64xf32, #tpu.memory_space<vmem>>) dst(%dma_wait3A_43 : memref<1x4x1x8x64xf32, #tpu.memory_space<hbm>>)
    }
    %scan3A_15 = arith.constant 13 : i32
    %scan3A_16 = arith.constant 0 : i32
    %scan3A_17 = arith.constant 13 : i32
    %scan3A_18 = arith.addi %scan3A_16, %scan3A_17 : i32
    %scan3A_19 = arith.constant 1 : i32
    scf.for %scan3A_21 = %scan3A_16 to %scan3A_18 step %scan3A_19  : i32 {
      %mul3A_22 = arith.constant 1 : i32
      %mul3A_23 = arith.muli %scan3A_21, %mul3A_22 : i32
      %add3A_24 = arith.constant 0 : i32
      %add3A_25 = arith.addi %add3A_24, %mul3A_23 : i32
      %add3A_26 = arith.constant 13 : i32
      %add3A_27 = arith.addi %add3A_26, %add3A_25 : i32
      %mul3A_28 = arith.constant 4 : i32
      %mul3A_29 = arith.muli %add3A, %mul3A_28 : i32
      %add3A_30 = arith.constant 3 : i32
      %add3A_31 = arith.addi %mul3A_29, %add3A_30 : i32
      %dma_wait3A = arith.constant 0 : i32
      %dma_wait3A_32 = arith.constant 0 : i32
      %dma_wait3A_33 = arith.constant 0 : i32
      %dma_wait3A_34 = arith.constant 0 : i32
      %dma_wait3A_35 = tpu.memref_slice %arg11[%add3A_25, %dma_wait3A, %dma_wait3A_32, %dma_wait3A_33, %dma_wait3A_34] : memref<13x4x1x8x64xf32, #tpu.memory_space<vmem>> -> memref<1x4x1x8x64xf32, #tpu.memory_space<vmem>>
      %dma_wait3A_36 = arith.constant 0 : i32
      %dma_wait3A_37 = arith.constant 0 : i32
      %dma_wait3A_38 = arith.constant 64 : i32
      %dma_wait3A_39 = tpu.memref_slice %arg4[%add3A_27, %dma_wait3A_36, %add3A_31, %dma_wait3A_37, %dma_wait3A_38] : memref<26x4x128x8x128xf32, #tpu.memory_space<hbm>> -> memref<1x4x1x8x64xf32, #tpu.memory_space<hbm>>
      %dma_wait3A_40 = arith.constant 0 : i32
      %dma_wait3A_41 = arith.constant 0 : i32
      %dma_wait3A_42 = arith.constant 64 : i32
      %dma_wait3A_43 = tpu.memref_slice %arg4[%add3A_27, %dma_wait3A_40, %add3A_31, %dma_wait3A_41, %dma_wait3A_42] : memref<26x4x128x8x128xf32, #tpu.memory_space<hbm>> -> memref<1x4x1x8x64xf32, #tpu.memory_space<hbm>>
      %dma_wait3A_44 = arith.constant 0 : i32
      %dma_wait3A_45 = arith.constant 0 : i32
      %dma_wait3A_46 = arith.constant 0 : i32
      %dma_wait3A_47 = arith.constant 0 : i32
      %dma_wait3A_48 = tpu.memref_slice %arg11[%add3A_25, %dma_wait3A_44, %dma_wait3A_45, %dma_wait3A_46, %dma_wait3A_47] : memref<13x4x1x8x64xf32, #tpu.memory_space<vmem>> -> memref<1x4x1x8x64xf32, #tpu.memory_space<vmem>>
      tpu.wait_dma2 semaphore(%arg15 : memref<!tpu.dma_semaphore, #tpu.memory_space<semaphore_mem>>) src(%dma_wait3A_48 : memref<1x4x1x8x64xf32, #tpu.memory_space<vmem>>) dst(%dma_wait3A_43 : memref<1x4x1x8x64xf32, #tpu.memory_space<hbm>>)
    }
    %scan3A_20 = arith.constant 13 : i32
    return
  }
}

</mosaic_0001>

<sc_bundles>
// kernel: kernel.4.cloned.1.call-start
scs
__scs_entry_jumppad:
0x0: {  	(pc) =	sbr.rel $0x88, $3  }
0x1: {  	(tag) =	ssettag $0x0;
	lr =	simm.s32 $0x1  }
0x2: {  	[smem:$0x3F9F] =	sst lr;
	_ =	strace $0xD0000000  }
0x3: {  	_ = 	snop  }
0x4: {  	_ = 	snop  }
0x5: {  	_ = 	snop  }
0x6: {  	_ = 	snop  }
0x7: {  	_ = 	snop  }
__scs_overlays_trampoline_lowered:
0x8: {  	[smem:$0x3FAE] =	sst s0  }
0x9: {  	[smem:$0x3FAF] =	sst s1  }
0xa: {  	[smem:$0x3FB0] =	sst s2  }
0xb: {  	[smem:$0x3FB1] =	sst s3  }
0xc: {  	[smem:$0x3FB2] =	sst s4  }
0xd: {  	[smem:$0x3FB3] =	sst s5  }
0xe: {  	[smem:$0x3FB4] =	sst s6  }
0xf: {  	[smem:$0x3FB5] =	sst s7  }
0x10: {  	[smem:$0x3FB6] =	sst s8  }
0x11: {  	[smem:$0x3FB7] =	sst s9;
	s0 =	simm.s32 @!p0 $0x0  }
0x12: {  	s1 =	sld [smem:$0x3F9D];
	s0 =	simm.s32 @p0 $0x1  }
0x13: {  	[smem:$0x3FB8] =	sst s0;
	s0 =	simm.s32 @!p1 $0x0  }
0x14: {  	s2 =	sld [smem:$0x3F9C];
	s0 =	simm.s32 @p1 $0x1  }
0x15: {  	[smem:$0x3FB9] =	sst s0;
	s0 =	simm.s32 @!p2 $0x0  }
0x16: {  	s3 =	sld [smem:$0x3FDB];
	s0 =	simm.s32 @p2 $0x1  }
0x17: {  	s4 =	simm.s32 $0x1BF5;
	[smem:$0x3FBB] =	sst s0  }
0x18: {  	s0 =	sld [smem:$0x3F9E];
	_ =	swait.ge [sflag:s4], $0x0  }
0x19: {  	s7 =	sld [smem:$0x3F9F]  }
0x1a: {  	s8 =	sadd.s32 $0xFFFFE003, lr  }
0x1b: {  	s9 =	sadd.s32 $0xFFFFFEF7, lr;
	s5 =	simm.s32 $0xFFFFFFFF;
	p2 =	slt.u32 s8, $0xFFFFF086  }
0x1c: {  	p1 =	slt.u32 s9, $0xF7A;
	s5 =	simm.s32 @!p2 $0x0  }
0x1d: {  	s5 =	simm.s32 @p1 $0x1;
	p0 =	seq.s32 s7, s2  }
0x1e: {  	s7 =	smul.u32 @!p0 $0xF7A, s2;
	p2 =	seq.s32 @!p0 s5, $0x0  }
0x1f: {  	s9 =	smul.u32 $0xF7A, s1;
	s8 =	simm.s32 @!p0 $0x1BF5;
	p2 =	por !p2, p0  }
0x20: {  	[sflag:s8] =	ssyncset.s32 @!p0 $0xFFFFF086;
	s6 =	sadd.s32 @!p0 s3, s7;
	s7 =	simm.s32 @!p0 $0x108  }
0x21: {  	s3 =	sadd.s32 s3, s9;
	s6 =	sadd.s32 @!p0 $0x88, s6;
	s7 =	simm.s32 @p2 $0x1082  }
0x22: {  	[simem:s7], [sflag:s8] =	dma.local @!p0 [hbm:s6], $0xF7A  }
0x23: {  	s9 =	sor.u32 $0xD0000000, s2;
	s6 =	simm.s32 $0x108;
	_ =	swait.ge @!p0 [sflag:s8], $0x0  }
0x24: {  	s3 =	sadd.s32 $0x88, s3;
	s6 =	simm.s32 @!p1 $0x1082;
	[sflag:s4] =	ssyncset.s32 $0xFFFFF086  }
0x25: {  	[simem:s6], [sflag:s4] =	dma.local [hbm:s3], $0xF7A  }
0x26: {  	[smem:$0x3F9F] =	sst s1;
	(tag) =	ssettag s2;
	_ =	strace s9  }
0x27: {  	s1 =	sld [smem:$0x3FAF]  }
0x28: {  	s2 =	sld [smem:$0x3FB0]  }
0x29: {  	s4 =	sld [smem:$0x3FB2]  }
0x2a: {  	p0 =	seq.s32 s5, $0x0;
	s5 =	sld [smem:$0x3FB3]  }
0x2b: {  	s6 =	sld [smem:$0x3FB4]  }
0x2c: {  	s7 =	sld [smem:$0x3FB5]  }
0x2d: {  	s3 =	simm.s32 $0x108;
	s8 =	sld [smem:$0x3FB6]  }
0x2e: {  	s3 =	simm.s32 @!p0 $0x1082;
	s9 =	sld [smem:$0x3FB7]  }
0x2f: {  	lr =	sadd.s32 s0, s3;
	s0 =	sld [smem:$0x3FAE]  }
0x30: {  	s3 =	sld [smem:$0x3FB1]  }
0x31: {  	[smem:$0x3FBA] =	sst s10  }
0x32: {  	s10 =	sld [smem:$0x3FB8];
	_ =	sdelay $0x3  }
0x33: {  	p0 =	seq.s32 s10, $0x1;
	s10 =	sld [smem:$0x3FBA];
	_ =	sdelay $0x3  }
0x34: {  	[smem:$0x3FBA] =	sst s10  }
0x35: {  	s10 =	sld [smem:$0x3FB9];
	_ =	sdelay $0x3  }
0x36: {  	p1 =	seq.s32 s10, $0x1;
	s10 =	sld [smem:$0x3FBA];
	_ =	sdelay $0x3  }
0x37: {  	[smem:$0x3FBA] =	sst s10  }
0x38: {  	s10 =	sld [smem:$0x3FBB]  }
0x39: {  	_ = 	snop;
	(pc) =	sbr.ind lr, $3  }
0x3a: {  	_ = 	snop  }
0x3b: {  	_ = 	snop  }
0x3c: {  	p2 =	seq.s32 s10, $0x1;
	s10 =	sld [smem:$0x3FBA]  }
0x3d: {  	_ =	shalt  }
0x3e: {  	_ =	shalt  }
0x3f: {  	_ =	shalt  }
0x40: {  	_ =	shalt  }
0x41: {  	_ =	shalt  }
0x42: {  	_ =	shalt  }
0x43: {  	_ =	shalt  }
0x44: {  	_ =	shalt  }
0x45: {  	_ =	shalt  }
0x46: {  	_ =	shalt  }
0x47: {  	_ =	shalt  }
0x48: {  	_ =	shalt  }
0x49: {  	_ =	shalt  }
0x4a: {  	_ =	shalt  }
0x4b: {  	_ =	shalt  }
0x4c: {  	_ =	shalt  }
0x4d: {  	_ =	shalt  }
0x4e: {  	_ =	shalt  }
0x4f: {  	_ =	shalt  }
0x50: {  	_ =	shalt  }
0x51: {  	_ =	shalt  }
0x52: {  	_ =	shalt  }
0x53: {  	_ =	shalt  }
0x54: {  	_ =	shalt  }
0x55: {  	_ =	shalt  }
0x56: {  	_ =	shalt  }
0x57: {  	_ =	shalt  }
0x58: {  	_ =	shalt  }
0x59: {  	_ =	shalt  }
0x5a: {  	_ =	shalt  }
0x5b: {  	_ =	shalt  }
0x5c: {  	_ =	shalt  }
0x5d: {  	_ =	shalt  }
0x5e: {  	_ =	shalt  }
0x5f: {  	_ =	shalt  }
0x60: {  	_ =	shalt  }
0x61: {  	_ =	shalt  }
0x62: {  	_ =	shalt  }
0x63: {  	_ =	shalt  }
0x64: {  	_ =	shalt  }
0x65: {  	_ =	shalt  }
0x66: {  	_ =	shalt  }
0x67: {  	_ =	shalt  }
0x68: {  	_ =	shalt  }
0x69: {  	_ =	shalt  }
0x6a: {  	_ =	shalt  }
0x6b: {  	_ =	shalt  }
0x6c: {  	_ =	shalt  }
0x6d: {  	_ =	shalt  }
0x6e: {  	_ =	shalt  }
0x6f: {  	_ =	shalt  }
0x70: {  	_ =	shalt  }
0x71: {  	_ =	shalt  }
0x72: {  	_ =	shalt  }
0x73: {  	_ =	shalt  }
0x74: {  	_ =	shalt  }
0x75: {  	_ =	shalt  }
0x76: {  	_ =	shalt  }
0x77: {  	_ =	shalt  }
0x78: {  	_ =	shalt  }
0x79: {  	_ =	shalt  }
0x7a: {  	_ =	shalt  }
0x7b: {  	_ =	shalt  }
0x7c: {  	_ =	shalt  }
0x7d: {  	_ =	shalt  }
0x7e: {  	_ =	shalt  }
0x7f: {  	_ =	shalt  }
0x80: {  	_ =	shalt  }
0x81: {  	_ =	shalt  }
0x82: {  	_ =	shalt  }
0x83: {  	_ =	shalt  }
0x84: {  	_ =	shalt  }
0x85: {  	_ =	shalt  }
0x86: {  	_ =	shalt  }
0x87: {  	_ =	shalt  }
.Lfunc_end0:
.L_simem_size_0:
called_computation_lowered:
.L_overlay_start_0:
0x88: {  	s2 =	sld [smem:$0x3FD9]  }
0x89: {  	s3 =	sld [smem:$0x3FFE];
	_ =	sdelay $0x1  }
0x8a: {  	s1 =	srdreg.scid  }
0x8b: {  	s0 =	sand.u32 $0x1, s1  }
0x8c: {  	s16 =	sshll.u32 s0, $0xA;
	s2 =	sadd.s32 s3, s2  }
0x8d: {  	s2 =	sadd.s32 s2, s16  }
0x8e: {  	[smem:$0x3FC6] =	sst s2  }
0x8f: {  	_ = 	snop  }
0x90: {  	(tm) =	ssettm $0x1  }
0x91: {  	s17 =	sld [smem:$0x3FFB];
	_ =	sdelay $0x3  }
0x92: {  	_ =	strace s17  }
0x93: {  	s2 =	sld [smem:$0x3FFC];
	_ =	sdelay $0x3  }
0x94: {  	_ =	strace s2  }
0x95: {  	s2 =	sld [smem:$0x3FFD];
	_ =	sdelay $0x3  }
0x96: {  	_ =	strace s2  }
0x97: {  	_ =	strace $0x8FFFFFFF  }
0x98: {  	s18 =	sld [smem:$0x3FDB];
	_ =	sdelay $0x1  }
0x99: {  	s19 =	simm.s32 $_scs_section_size  }
0x9a: {  	s4 =	simm.s32 $_size__tile_overlayer_lowered;
	s5 =	simm.s32 $_tile_overlayer_lowered  }
0x9b: {  	s22 =	simm.s32 $0x1BFF;
	s21 =	sshll.u32 s5, $0x1;
	s2 =	sadd.s32 s19, s18  }
0x9c: {  	s6 =	simm.s32 $0x0;
	s20 =	sshll.u32 s4, $0x1;
	s4 =	sadd.s32 s21, s2  }
0x9d: {  	[timem:s6], [sflag:s22] =	dma.local [hbm:s4], s20  }
0x9e: {  	_ =	swait.ge [sflag:s22], s20  }
0x9f: {  	s3 =	ssub.s32 $0x0, s20;
	[sflag:s22] =	ssyncset.done $0x0  }
0xa0: {  	[sflag:s22] =	ssyncadd.s32 s3;
	_ =	sdelay $0x1  }
0xa1: {  	s23 =	simm.s32 $0x1B8B  }
0xa2: {  	_ =	swait.ge [sflag:s23], $0x1  }
0xa3: {  	[sflag:s23] =	ssyncset.done $0x0  }
0xa4: {  	s25 =	simm.s32 $0x1B8E;
	s24 =	sld [smem:$0x3FFE];
	[sflag:s23] =	ssyncadd.s32 $0xFFFFFFFF  }
0xa5: {  	s26 =	simm.s32 $execute0_lowered;
	[smem:$0x3FD2] =	sst s25  }
0xa6: {  	s4 =	sshll.u32 s26, $0x1;
	_ =	strace $0x80000046;
	[dreg:$0x1] =	wrdreg $0xFFFFFFFF  }
0xa7: {  	s28 =	simm.s32 $_size_execute0_lowered;
	s2 =	sadd.s32 s2, s4;
	[dreg:$0x0] =	wrdreg $0x0  }
0xa8: {  	s4 =	sshll.u32 s28, $0x1;
	[dreg:$0x2] =	wrdreg s2  }
0xa9: {  	[dreg:$0x3] =	wrdreg s4  }
0xaa: {  	[dreg:$0x4] =	wrdreg $0xC0  }
0xab: {  	_ =	task [dreg:s6], $0x5FFFF  }
0xac: {  	[dreg:$0x1] =	wrdreg $0xFFFFFFFF  }
0xad: {  	[dreg:$0x0] =	wrdreg $0x60  }
0xae: {  	[dreg:$0x2] =	wrdreg s24  }
0xaf: {  	[dreg:$0x3] =	wrdreg $0x9  }
0xb0: {  	_ =	task.clear_ibuf [dreg:s6], $0x4FFFF;
	_ =	strace $0x90000046  }
0xb1: {  	s29 =	simm.s32 $0x9;
	_ =	strace $0x80000048  }
0xb2: {  	_ =	swait.ge [sflag:s29], $0x1  }
0xb3: {  	[sflag:s29] =	ssyncadd.s32 $0xFFFFFFFF  }
0xb4: {  	_ =	strace $0x90000048  }
0xb5: {  	_ =	sfence  }
0xb6: {  	s30 =	sld [smem:$0x0];
	_ =	sdelay $0x2  }
0xb7: {  	s31 =	sshll.u32 s1, $0xD;
	s1 =	sshrl.u32 s1, $0x2  }
0xb8: {  	s3 =	sand.u32 $0x4000, s31;
	s1 =	sadd.s32 s1, s30  }
0xb9: {  	s0 =	sor.u32 s3, s0;
	s1 =	sshll.u32 s1, $0x11  }
0xba: {  	s0 =	sor.u32 s1, s0  }
0xbb: {  	s0 =	sadd.s32 $0x8F2B, s0  }
0xbc: {  	[sflag:s0] =	ssyncadd.remote.s32 $0x1  }
0xbd: {  	_ =	sfence.sel $0xFFFF  }
0xbe: {  	[dreg:$0x0] =	wrdreg $0xFFFFFFFF;
	(pc) =	sbr.abs _section_cstart, $3  }
0xbf: {  	[dreg:$0x1] =	wrdreg $0xFFFFFFFF  }
0xc0: {  	_ =	task.clear_ibuf [dreg:s6], $0x2FFFF;
	_ =	strace $0x9FFFFFFF  }
0xc1: {  	(tm) =	ssettm $0x7FFFFFFF  }
tec
execute0_lowered:
.L_overlay_start_1:
0x0: {  	(tag) =	ssettag $0x1  }
0x1: {  	s5 =	rddreg [dreg:$0x0];
	v0 =	vlaneseq.u32  }
0x2: {  	s2 =	srdreg.scid;
	s0 =	rddreg [dreg:$0x1];
	s1 =	simm.s32 $0x0;
	v1 =	vimm.s32 $0x0;
	vm0 =	vcmask $0x300;
	v0 =	vmul.u32 $0x640, v0  }
0x3: {  	s3 =	stileid.u32;
	s8 =	simm.s32 $0x640;
	s9 =	simm.s32 $0xF4240;
	v1 =	vsel vm0, $0x3, v1  }
.Ltmp0:
0x4: {  	s10 =	simm.s32 $0x2;
	s2 =	sand.u32 $0x1, s2;
	v2 =	vadd.s32 $0x6400, v0;
	v3 =	vor.u32 $0x1, v0;
	v4 =	vadd.s32 $0x6401, v0;
	(pc) =	sbr.rel .LBB2_1-.Ltmp0, $4  }
0x5: {  	s11 =	simm.s32 $0xC800;
	s12 =	simm.s32 $0x1;
	s6 =	ssub.s32 $0x2, s2;
	v5 =	vor.u32 $0x2, v0;
	v6 =	vadd.s32 $0x6402, v0;
	v7 =	vor.u32 $0x3, v0  }
0x6: {  	s13 =	simm.s32 $0x0;
	[smem:$0x7FF] =	sst s1;
	s7 =	sshrl.u32 s6, $0x1;
	v8 =	vadd.s32 $0x6403, v0;
	v9 =	vor.u32 $0x4, v0;
	v10 =	vadd.s32 $0x6404, v0  }
0x7: {  	s4 =	sadd.s32 $0x800, s5;
	s5 =	sadd.s32 $0x3D1200, s5;
	v11 =	vor.u32 $0x5, v0;
	v12 =	vadd.s32 $0x6405, v0;
	v13 =	vor.u32 $0x6, v0;
	s7 =	ssub.s32 s6, s7  }
0x8: {  	_ =	strace $0x80000047;
	v14 =	vadd.s32 $0x6406, v0;
	v15 =	vor.u32 $0x7, v0;
	v16 =	vadd.s32 $0x6407, v0;
	s6 =	sshll.u32 s3, $0x1;
	s7 =	smax.u32 s7, $0x1  }
.LBB2_7:
0x9: {  	s13 =	sadd.s32 $0x1, s13  }
0xa: {  	p0 =	sne.s32 s13, s7  }
.Ltmp1:
0xb: {  	_ = 	snop;
	(pc) =	sbr.rel @!p0 .LBB2_8-.Ltmp1, $4  }
0xc: {  	_ = 	snop  }
0xd: {  	_ =	swait.ge [sflag:s12], $0xC800  }
0xe: {  	[sflag:s12] =	ssyncset.done $0x0  }
0xf: {  	[sflag:s12] =	ssyncadd.s32 $0xFFFF3800  }
.LBB2_1:
.Ltmp2:
0x10: {  	(pc) =	sbr.rel .LBB2_2-.Ltmp2, $2  }
0x11: {  	_ =	sdelay $0x2  }
0x12: {  	s14 =	simm.s32 $0x0  }
.LBB2_6:
0x13: {  	s14 =	sadd.s32 $0x1, s14  }
0x14: {  	p0 =	sne.s32 s14, $0x14  }
.Ltmp3:
0x15: {  	_ = 	snop;
	(pc) =	sbr.rel @!p0 .LBB2_7-.Ltmp3, $1  }
0x16: {  	_ =	sdelay $0x3  }
.LBB2_2:
0x17: {  	s15 =	sshll.u32 s14, $0x5  }
0x18: {  	s15 =	sor.u32 s15, s6  }
0x19: {  	s15 =	sor.u32 s2, s15  }
0x1a: {  	p0 =	sgt.u32 s15, $0x270  }
.Ltmp4:
0x1b: {  	_ = 	snop;
	(pc) =	sbr.rel @p0 .LBB2_6-.Ltmp4, $1  }
0x1c: {  	_ =	sdelay $0x3  }
0x1d: {  	s16 =	simm.s32 $0x0;
	s30 =	simm.s32 $0x1;
	s31 =	simm.s32 $0x2  }
0x1e: {  	s17 =	simm.s32 $0x3;
	s18 =	simm.s32 $0x4;
	s19 =	simm.s32 $0x5;
	v17 =	vmov s16;
	v18 =	vmov s30;
	v19 =	vmov s31  }
0x1f: {  	s20 =	simm.s32 $0x6;
	v20 =	vmov s17;
	v21 =	vmov s18;
	v22 =	vmov s19  }
0x20: {  	s21 =	smul.u32 $0xC8, s15;
	s22 =	simm.s32 $0x7;
	v23 =	vmov s20;
	v17 =	vshrl.u32 v17, $0x3;
	v24 =	vshrl.u32 v18, $0x3  }
0x21: {  	v19 =	vshrl.u32 v19, $0x3;
	v18 =	vmov s22;
	v20 =	vshrl.u32 v20, $0x3  }
0x22: {  	s23 =	sadd.s32 s4, s21;
	v21 =	vshrl.u32 v21, $0x3;
	v22 =	vshrl.u32 v22, $0x3;
	v17 =	vshll.u32 v17, v1  }
0x23: {  	v25 =	vshrl.u32 v18, $0x3;
	[tilespmem:s1], [sflag:$0x2] =	stream.strided.gather [hbm4b:s23+s8], $0xC800, s9, s8, $0x38;
	v24 =	vshll.u32 v24, v1;
	v18 =	vbroadcast v17, $0x0;
	[tilespmem:$0x19000] =	vst v63  }
0x24: {  	v23 =	vshrl.u32 v23, $0x3;
	v17 =	vshll.u32 v25, v1;
	_ =	swait.ge [sflag:s10], $0xC800;
	v24 =	vbroadcast v24, $0x0  }
0x25: {  	p0 =	seq.s32 s14, $0x0;
	v19 =	vshll.u32 v19, v1;
	v26 =	vbroadcast v17, $0x0;
	[sflag:s10] =	ssyncset.done $0x0;
	v17 =	vadd.s32 v0, v18  }
0x26: {  	s16 =	simm.s32 @!p0 $0x1;
	v29 =	vbroadcast v19, $0x0;
	v19 =	vshll.u32 v20, v1;
	[sflag:s10] =	ssyncadd.s32 $0xFFFF3800;
	v27 =	vadd.s32 v3, v24  }
0x27: {  	v20 =	vshll.u32 v22, v1;
	v32 =	vbroadcast v19, $0x0;
	v25 =	vadd.s32 v15, v26;
	_ =	swait.ge @!p0 [sflag:s16], $0xC800  }
0x28: {  	v19 =	vshll.u32 v21, v1;
	v20 =	vbroadcast v20, $0x0;
	v28 =	vadd.s32 v5, v29;
	[sflag:s16] =	ssyncset.done @!p0 $0x0  }
0x29: {  	s25 =	simm.s32 $0x9;
	v21 =	vshll.u32 v23, v1;
	v19 =	vbroadcast v19, $0x0;
	v30 =	vadd.s32 v7, v32;
	[sflag:s16] =	ssyncadd.s32 @!p0 $0xFFFF3800  }
0x2a: {  	s26 =	simm.s32 $0xA;
	s28 =	simm.s32 $0xB;
	v31 =	vmov s25;
	v21 =	vbroadcast v21, $0x0;
	v40 =	vadd.s32 v11, v20;
	v17 =	vld.idx.msk [tilespmem:v17+s1+$0x0], $0xffff  }
0x2b: {  	s29 =	simm.s32 $0xC;
	v37 =	vmov s26;
	v41 =	vmov s28;
	s30 =	simm.s32 $0xD;
	v23 =	vadd.s32 v9, v19;
	v27 =	vld.idx.msk [tilespmem:v27+s1+$0x0], $0xffff  }
0x2c: {  	s24 =	simm.s32 $0x8;
	v42 =	vmov s29;
	s31 =	simm.s32 $0xE;
	v39 =	vmov s30;
	v35 =	vadd.s32 v13, v21;
	v25 =	vld.idx.msk [tilespmem:v25+s1+$0x0], $0xffff  }
0x2d: {  	v38 =	vmov s31;
	v22 =	vmov s24;
	v36 =	vadd.s32 v16, v26;
	v28 =	vld.idx.msk [tilespmem:v28+s1+$0x0], $0xffff  }
0x2e: {  	v33 =	vshrl.u32 v31, $0x3;
	v22 =	vshrl.u32 v22, $0x3;
	v34 =	vadd.s32 v4, v24;
	v30 =	vld.idx.msk [tilespmem:v30+s1+$0x0], $0xffff  }
0x2f: {  	v31 =	vadd.s32 v6, v29;
	v26 =	vshrl.u32 v37, $0x3;
	v37 =	vadd.s32 v8, v32;
	v32 =	vld.idx.msk [tilespmem:v40+s1+$0x0], $0xffff  }
0x30: {  	s18 =	simm.s32 $0xF;
	s17 =	simm.s32 $0x10;
	v22 =	vshll.u32 v22, v1;
	v24 =	vshrl.u32 v41, $0x3;
	s16 =	simm.s32 $0xC880;
	v29 =	vld.idx.msk [tilespmem:v23+s1+$0x0], $0xffff;
	v23 =	vshrl.u32 v42, $0x3  }
.LBB2_4:
0x31: {  	p0 =	slt.u32 s17, $0x638;
	v39 =	vshrl.u32 v39, $0x3;
	v40 =	vmov s18;
	v19 =	vadd.s32 v10, v19;
	v35 =	vld.idx.msk [tilespmem:v35+s1+$0x0], $0xffff;
	[tilespmem:s16+$0x60] =	vst v25  }
0x32: {  	v22 =	vbroadcast v22, $0x0;
	v20 =	vadd.s32 v12, v20;
	v25 =	vshrl.u32 v40, $0x3;
	[tilespmem:s16+$0xFFFFFFA0] =	vst v27;
	v27 =	vld.idx.msk [tilespmem:v36+s1+$0x0], $0xffff  }
0x33: {  	v21 =	vadd.s32 v14, v21;
	v36 =	vshrl.u32 v38, $0x3;
	v25 =	vshll.u32 v25, v1;
	v34 =	vld.idx.msk [tilespmem:v34+s1+$0x0], $0xffff;
	[tilespmem:s16+$0xFFFFFFC0] =	vst v28  }
0x34: {  	v33 =	vshll.u32 v33, v1;
	v28 =	vadd.s32 v0, v22;
	v38 =	vbroadcast v25, $0x0;
	v31 =	vld.idx.msk [tilespmem:v31+s1+$0x0], $0xffff;
	[tilespmem:s16+$0xFFFFFFE0] =	vst v30  }
0x35: {  	v18 =	vadd.s32 v2, v18;
	v30 =	vbroadcast v33, $0x0;
	v25 =	vshll.u32 v26, v1;
	v26 =	vld.idx.msk [tilespmem:v37+s1+$0x0], $0xffff;
	[tilespmem:s16+$0x0] =	vst v29  }
0x36: {  	v24 =	vshll.u32 v24, v1;
	v29 =	vbroadcast v25, $0x0;
	v25 =	vadd.s32 v15, v38;
	v33 =	vld.idx.msk [tilespmem:v19+s1+$0x0], $0xffff;
	[tilespmem:s16+$0x20] =	vst v32  }
0x37: {  	v37 =	vbroadcast v24, $0x0;
	v32 =	vadd.s32 v3, v30;
	v19 =	vshll.u32 v23, v1;
	v23 =	vld.idx.msk [tilespmem:v20+s1+$0x0], $0xffff;
	[tilespmem:s16+$0x40] =	vst v35  }
0x38: {  	v24 =	vadd.s32 v5, v29;
	v19 =	vbroadcast v19, $0x0;
	v20 =	vshll.u32 v39, v1;
	v40 =	vld.idx.msk [tilespmem:v21+s1+$0x0], $0xffff;
	[tilespmem:s16+$0x70] =	vst v27  }
0x39: {  	v41 =	vadd.s32 v7, v37;
	v20 =	vbroadcast v20, $0x0;
	v21 =	vshll.u32 v36, v1;
	[tilespmem:s16+$0xFFFFFF80] =	vst v17;
	v17 =	vld.idx.msk [tilespmem:v28+s1+$0x0], $0xffff  }
0x3a: {  	s18 =	sadd.s32 $0x1, s17;
	v27 =	vmov s17;
	v42 =	vadd.s32 v9, v19;
	v21 =	vbroadcast v21, $0x0;
	v43 =	vld.idx.msk [tilespmem:v18+s1+$0x0], $0xffff;
	[tilespmem:s16+$0xFFFFFFB0] =	vst v34;
	v18 =	vmovc v22  }
0x3b: {  	s19 =	sadd.s32 $0x3, s17;
	v44 =	vmov s18;
	s18 =	sadd.s32 $0x2, s17;
	v22 =	vshrl.u32 v27, $0x3;
	v45 =	vadd.s32 v11, v20;
	v25 =	vld.idx.msk [tilespmem:v25+s1+$0x0], $0xffff;
	[tilespmem:s16+$0xFFFFFFD0] =	vst v31  }
.Ltmp5:
0x3c: {  	v46 =	vmov s19;
	s19 =	sadd.s32 $0x5, s17;
	v31 =	vmov s18;
	s18 =	sadd.s32 $0x4, s17;
	v35 =	vadd.s32 v13, v21;
	v27 =	vld.idx.msk [tilespmem:v32+s1+$0x0], $0xffff;
	[tilespmem:s16+$0xFFFFFFF0] =	vst v26;
	(pc) =	sbr.rel @p0 .LBB2_4-.Ltmp5, $4  }
0x3d: {  	v39 =	vmov s19;
	v36 =	vadd.s32 v16, v38;
	v32 =	vmov s18;
	s18 =	sadd.s32 $0x6, s17;
	v28 =	vld.idx.msk [tilespmem:v24+s1+$0x0], $0xffff;
	[tilespmem:s16+$0x10] =	vst v33  }
0x3e: {  	v34 =	vadd.s32 v4, v30;
	v22 =	vshll.u32 v22, v1;
	v38 =	vmov s18;
	v30 =	vld.idx.msk [tilespmem:v41+s1+$0x0], $0xffff;
	[tilespmem:s16+$0x30] =	vst v23  }
0x3f: {  	v26 =	vshrl.u32 v31, $0x3;
	v31 =	vadd.s32 v6, v29;
	v33 =	vshrl.u32 v44, $0x3;
	v29 =	vld.idx.msk [tilespmem:v42+s1+$0x0], $0xffff;
	[tilespmem:s16+$0x50] =	vst v40  }
0x40: {  	v37 =	vadd.s32 v8, v37;
	v24 =	vshrl.u32 v46, $0x3;
	s18 =	sadd.s32 $0x7, s17;
	s17 =	sadd.s32 $0x8, s17;
	v23 =	vshrl.u32 v32, $0x3;
	v32 =	vld.idx.msk [tilespmem:v45+s1+$0x0], $0xffff;
	[tilespmem:s16+$0xFFFFFF90] =	vst v43;
	s16 =	sadd.s32 $0x100, s16  }
0x41: {  	_ =	sdelay $0x1  }
0x42: {  	[tilespmem:s16+$0x60] =	vst v25  }
0x43: {  	v44 =	vmov s18;
	[tilespmem:s16+$0xFFFFFFA0] =	vst v27  }
0x44: {  	v35 =	vld.idx.msk [tilespmem:v35+s1+$0x0], $0xffff;
	v45 =	vshrl.u32 v39, $0x3;
	v19 =	vadd.s32 v10, v19;
	v20 =	vadd.s32 v12, v20;
	[tilespmem:s16+$0xFFFFFF80] =	vst v17  }
0x45: {  	v46 =	vshrl.u32 v38, $0x3;
	v21 =	vadd.s32 v14, v21;
	v33 =	vshll.u32 v33, v1;
	v36 =	vld.idx.msk [tilespmem:v36+s1+$0x0], $0xffff;
	[tilespmem:s16+$0xFFFFFFC0] =	vst v28  }
0x46: {  	v18 =	vadd.s32 v2, v18;
	v24 =	vshll.u32 v24, v1;
	v47 =	vld.idx.msk [tilespmem:v34+s1+$0x0], $0xffff;
	v49 =	vbroadcast v33, $0x0;
	[tilespmem:s16+$0xFFFFFFE0] =	vst v30  }
0x47: {  	v26 =	vshll.u32 v26, v1;
	v23 =	vshll.u32 v23, v1;
	v24 =	vbroadcast v24, $0x0;
	v48 =	vld.idx.msk [tilespmem:v31+s1+$0x0], $0xffff;
	[tilespmem:s16+$0x0] =	vst v29  }
0x48: {  	v23 =	vbroadcast v23, $0x0;
	v27 =	vshll.u32 v45, v1;
	v50 =	vld.idx.msk [tilespmem:v37+s1+$0x0], $0xffff;
	v52 =	vadd.s32 v3, v49;
	[tilespmem:s16+$0x20] =	vst v32  }
0x49: {  	v25 =	vshrl.u32 v44, $0x3;
	v27 =	vbroadcast v27, $0x0;
	v54 =	vadd.s32 v7, v24;
	[tilespmem:s16+$0x40] =	vst v35;
	v19 =	vld.idx.msk [tilespmem:v19+s1+$0x0], $0xffff  }
0x4a: {  	v26 =	vbroadcast v26, $0x0;
	v28 =	vshll.u32 v46, v1;
	v55 =	vadd.s32 v9, v23;
	v20 =	vld.idx.msk [tilespmem:v20+s1+$0x0], $0xffff;
	[tilespmem:s16+$0x70] =	vst v36  }
0x4b: {  	v25 =	vshll.u32 v25, v1;
	v28 =	vbroadcast v28, $0x0;
	v56 =	vadd.s32 v11, v27;
	v18 =	vld.idx.msk [tilespmem:v18+s1+$0x0], $0xffff;
	[tilespmem:s16+$0xFFFFFFB0] =	vst v47  }
0x4c: {  	v25 =	vbroadcast v25, $0x0;
	v53 =	vadd.s32 v5, v26;
	v17 =	vld.idx.msk [tilespmem:v21+s1+$0x0], $0xffff;
	[tilespmem:s16+$0xFFFFFFD0] =	vst v48  }
0x4d: {  	v58 =	vadd.s32 v13, v28;
	[tilespmem:s16+$0xFFFFFFF0] =	vst v50;
	v57 =	vld.idx.msk [tilespmem:v52+s1+$0x0], $0xffff  }
0x4e: {  	v51 =	vadd.s32 v15, v25;
	v21 =	vld.idx.msk [tilespmem:v54+s1+$0x0], $0xffff;
	[tilespmem:s16+$0x10] =	vst v19  }
0x4f: {  	v22 =	vbroadcast v22, $0x0;
	v24 =	vadd.s32 v8, v24;
	v30 =	vld.idx.msk [tilespmem:v55+s1+$0x0], $0xffff;
	[tilespmem:s16+$0x30] =	vst v20  }
0x50: {  	v23 =	vadd.s32 v10, v23;
	v60 =	vld.idx.msk [tilespmem:v56+s1+$0x0], $0xffff;
	[tilespmem:s16+$0xFFFFFF90] =	vst v18  }
0x51: {  	s31 =	sadd.s32 $0x100, s16;
	v59 =	vadd.s32 v0, v22;
	v19 =	vld.idx.msk [tilespmem:v53+s1+$0x0], $0xffff;
	[tilespmem:s16+$0x50] =	vst v17  }
0x52: {  	v61 =	vld.idx.msk [tilespmem:v58+s1+$0x0], $0xffff;
	v17 =	vadd.s32 v4, v49;
	[tilespmem:s31+$0xFFFFFFA0] =	vst v57  }
0x53: {  	v62 =	vadd.s32 v12, v27;
	v33 =	vld.idx.msk [tilespmem:v51+s1+$0x0], $0xffff;
	[tilespmem:s31+$0xFFFFFFE0] =	vst v21  }
0x54: {  	v25 =	vadd.s32 v16, v25;
	[tilespmem:s31+$0x0] =	vst v30;
	v24 =	vld.idx.msk [tilespmem:v24+s1+$0x0], $0xffff  }
0x55: {  	v18 =	vadd.s32 v6, v26;
	[tilespmem:s31+$0x20] =	vst v60;
	v23 =	vld.idx.msk [tilespmem:v23+s1+$0x0], $0xffff  }
0x56: {  	v63 =	vadd.s32 v14, v28;
	[tilespmem:s31+$0xFFFFFFC0] =	vst v19;
	v19 =	vld.idx.msk [tilespmem:v59+s1+$0x0], $0xffff  }
0x57: {  	v22 =	vadd.s32 v2, v22;
	[tilespmem:s31+$0x40] =	vst v61;
	v17 =	vld.idx.msk [tilespmem:v17+s1+$0x0], $0xffff  }
0x58: {  	[tilespmem:s31+$0x60] =	vst v33;
	v20 =	vld.idx.msk [tilespmem:v62+s1+$0x0], $0xffff  }
0x59: {  	v25 =	vld.idx.msk [tilespmem:v25+s1+$0x0], $0xffff;
	[tilespmem:s31+$0xFFFFFFF0] =	vst v24  }
0x5a: {  	v18 =	vld.idx.msk [tilespmem:v18+s1+$0x0], $0xffff;
	[tilespmem:s31+$0x10] =	vst v23  }
0x5b: {  	[tilespmem:s31+$0xFFFFFF80] =	vst v19;
	v19 =	vld.idx.msk [tilespmem:v63+s1+$0x0], $0xffff  }
0x5c: {  	[tilespmem:s31+$0xFFFFFFB0] =	vst v17;
	v17 =	vld.idx.msk [tilespmem:v22+s1+$0x0], $0xffff  }
0x5d: {  	[tilespmem:s31+$0x30] =	vst v20  }
.Ltmp6:
0x5e: {  	[tilespmem:s31+$0x70] =	vst v25;
	(pc) =	sbr.rel .LBB2_6-.Ltmp6, $4  }
0x5f: {  	s15 =	smul.u32 $0x1900, s15;
	[tilespmem:s31+$0xFFFFFFD0] =	vst v18  }
0x60: {  	[tilespmem:s31+$0x50] =	vst v19  }
0x61: {  	s15 =	sadd.s32 s5, s15;
	[tilespmem:s31+$0xFFFFFF90] =	vst v17  }
0x62: {  	[hbm4b:s15+s1] =	stream.linear.scatter [tilespmem:s11], [sflag:$0x1], $0xC800, $0x38;
	[tilespmem:$0x19000] =	vst v63  }
.LBB2_8:
0x63: {  	_ =	sfence.sel $0x180000  }
0x64: {  	[bflag:$0x0] =	sbarrier.arrive $0xFFFF  }
0x65: {  	p0 =	sne.s32 s3, $0x0;
	_ =	strace $0x90000047  }
0x66: {  	s0 =	sadd.s32 @!p0 $0x100000, s0;
	[bflag:$0x2] =	sbarrier.arrive $0xFFFF  }
0x67: {  	[sflag:s0] =	ssyncadd.tile.s32 @!p0 $0x1;
	_ =	shalt  }
.Lfunc_end2:
_tile_overlayer_lowered:
.L_overlay_start_2:
0x68: {  	(tag) =	ssettag $0x2  }
0x69: {  	s0 =	rddreg [dreg:$0x0];
	s2 =	stileid.u32  }
0x6a: {  	s1 =	rddreg [dreg:$0x1];
	p0 =	sne.s32 s2, $0x0  }
0x6b: {  	s3 =	rddreg [dreg:$0x2];
	[bflag:$0x3] =	sbarrier.arrive $0xFFFF;
	s2 =	simm.s32 @!p0 $0x1C02  }
0x6c: {  	[timem:s3], [sflag:s2] =	dma.local @!p0 [hbm:s0], s1  }
0x6d: {  	s0 =	simm.s32 @!p0 $0x2  }
0x6e: {  	_ =	swait.ge @!p0 [sflag:s0], s1  }
0x6f: {  	s1 =	ssub.s32 @!p0 $0x0, s1;
	[sflag:s0] =	ssyncset.done @!p0 $0x0  }
0x70: {  	[sflag:s0] =	ssyncadd.s32 @!p0 s1  }
0x71: {  	[bflag:$0x3] =	sbarrier.arrive $0xFFFF  }
0x72: {  	_ =	shalt  }

// kernel: kernel.7.cloned.1.call-start
scs
__scs_entry_jumppad:
0x0: {  	(pc) =	sbr.rel $0x88, $3  }
0x1: {  	(tag) =	ssettag $0x0;
	lr =	simm.s32 $0x1  }
0x2: {  	[smem:$0x3F9F] =	sst lr;
	_ =	strace $0xD0000000  }
0x3: {  	_ = 	snop  }
0x4: {  	_ = 	snop  }
0x5: {  	_ = 	snop  }
0x6: {  	_ = 	snop  }
0x7: {  	_ = 	snop  }
__scs_overlays_trampoline_lowered:
0x8: {  	[smem:$0x3FAE] =	sst s0  }
0x9: {  	[smem:$0x3FAF] =	sst s1  }
0xa: {  	[smem:$0x3FB0] =	sst s2  }
0xb: {  	[smem:$0x3FB1] =	sst s3  }
0xc: {  	[smem:$0x3FB2] =	sst s4  }
0xd: {  	[smem:$0x3FB3] =	sst s5  }
0xe: {  	[smem:$0x3FB4] =	sst s6  }
0xf: {  	[smem:$0x3FB5] =	sst s7  }
0x10: {  	[smem:$0x3FB6] =	sst s8  }
0x11: {  	[smem:$0x3FB7] =	sst s9;
	s0 =	simm.s32 @!p0 $0x0  }
0x12: {  	s1 =	sld [smem:$0x3F9D];
	s0 =	simm.s32 @p0 $0x1  }
0x13: {  	[smem:$0x3FB8] =	sst s0;
	s0 =	simm.s32 @!p1 $0x0  }
0x14: {  	s2 =	sld [smem:$0x3F9C];
	s0 =	simm.s32 @p1 $0x1  }
0x15: {  	[smem:$0x3FB9] =	sst s0;
	s0 =	simm.s32 @!p2 $0x0  }
0x16: {  	s3 =	sld [smem:$0x3FDB];
	s0 =	simm.s32 @p2 $0x1  }
0x17: {  	s4 =	simm.s32 $0x1BF5;
	[smem:$0x3FBB] =	sst s0  }
0x18: {  	s0 =	sld [smem:$0x3F9E];
	_ =	swait.ge [sflag:s4], $0x0  }
0x19: {  	s7 =	sld [smem:$0x3F9F]  }
0x1a: {  	s8 =	sadd.s32 $0xFFFFE003, lr  }
0x1b: {  	s9 =	sadd.s32 $0xFFFFFEF7, lr;
	s5 =	simm.s32 $0xFFFFFFFF;
	p2 =	slt.u32 s8, $0xFFFFF086  }
0x1c: {  	p1 =	slt.u32 s9, $0xF7A;
	s5 =	simm.s32 @!p2 $0x0  }
0x1d: {  	s5 =	simm.s32 @p1 $0x1;
	p0 =	seq.s32 s7, s2  }
0x1e: {  	s7 =	smul.u32 @!p0 $0xF7A, s2;
	p2 =	seq.s32 @!p0 s5, $0x0  }
0x1f: {  	s9 =	smul.u32 $0xF7A, s1;
	s8 =	simm.s32 @!p0 $0x1BF5;
	p2 =	por !p2, p0  }
0x20: {  	[sflag:s8] =	ssyncset.s32 @!p0 $0xFFFFF086;
	s6 =	sadd.s32 @!p0 s3, s7;
	s7 =	simm.s32 @!p0 $0x108  }
0x21: {  	s3 =	sadd.s32 s3, s9;
	s6 =	sadd.s32 @!p0 $0x88, s6;
	s7 =	simm.s32 @p2 $0x1082  }
0x22: {  	[simem:s7], [sflag:s8] =	dma.local @!p0 [hbm:s6], $0xF7A  }
0x23: {  	s9 =	sor.u32 $0xD0000000, s2;
	s6 =	simm.s32 $0x108;
	_ =	swait.ge @!p0 [sflag:s8], $0x0  }
0x24: {  	s3 =	sadd.s32 $0x88, s3;
	s6 =	simm.s32 @!p1 $0x1082;
	[sflag:s4] =	ssyncset.s32 $0xFFFFF086  }
0x25: {  	[simem:s6], [sflag:s4] =	dma.local [hbm:s3], $0xF7A  }
0x26: {  	[smem:$0x3F9F] =	sst s1;
	(tag) =	ssettag s2;
	_ =	strace s9  }
0x27: {  	s1 =	sld [smem:$0x3FAF]  }
0x28: {  	s2 =	sld [smem:$0x3FB0]  }
0x29: {  	s4 =	sld [smem:$0x3FB2]  }
0x2a: {  	p0 =	seq.s32 s5, $0x0;
	s5 =	sld [smem:$0x3FB3]  }
0x2b: {  	s6 =	sld [smem:$0x3FB4]  }
0x2c: {  	s7 =	sld [smem:$0x3FB5]  }
0x2d: {  	s3 =	simm.s32 $0x108;
	s8 =	sld [smem:$0x3FB6]  }
0x2e: {  	s3 =	simm.s32 @!p0 $0x1082;
	s9 =	sld [smem:$0x3FB7]  }
0x2f: {  	lr =	sadd.s32 s0, s3;
	s0 =	sld [smem:$0x3FAE]  }
0x30: {  	s3 =	sld [smem:$0x3FB1]  }
0x31: {  	[smem:$0x3FBA] =	sst s10  }
0x32: {  	s10 =	sld [smem:$0x3FB8];
	_ =	sdelay $0x3  }
0x33: {  	p0 =	seq.s32 s10, $0x1;
	s10 =	sld [smem:$0x3FBA];
	_ =	sdelay $0x3  }
0x34: {  	[smem:$0x3FBA] =	sst s10  }
0x35: {  	s10 =	sld [smem:$0x3FB9];
	_ =	sdelay $0x3  }
0x36: {  	p1 =	seq.s32 s10, $0x1;
	s10 =	sld [smem:$0x3FBA];
	_ =	sdelay $0x3  }
0x37: {  	[smem:$0x3FBA] =	sst s10  }
0x38: {  	s10 =	sld [smem:$0x3FBB]  }
0x39: {  	_ = 	snop;
	(pc) =	sbr.ind lr, $3  }
0x3a: {  	_ = 	snop  }
0x3b: {  	_ = 	snop  }
0x3c: {  	p2 =	seq.s32 s10, $0x1;
	s10 =	sld [smem:$0x3FBA]  }
0x3d: {  	_ =	shalt  }
0x3e: {  	_ =	shalt  }
0x3f: {  	_ =	shalt  }
0x40: {  	_ =	shalt  }
0x41: {  	_ =	shalt  }
0x42: {  	_ =	shalt  }
0x43: {  	_ =	shalt  }
0x44: {  	_ =	shalt  }
0x45: {  	_ =	shalt  }
0x46: {  	_ =	shalt  }
0x47: {  	_ =	shalt  }
0x48: {  	_ =	shalt  }
0x49: {  	_ =	shalt  }
0x4a: {  	_ =	shalt  }
0x4b: {  	_ =	shalt  }
0x4c: {  	_ =	shalt  }
0x4d: {  	_ =	shalt  }
0x4e: {  	_ =	shalt  }
0x4f: {  	_ =	shalt  }
0x50: {  	_ =	shalt  }
0x51: {  	_ =	shalt  }
0x52: {  	_ =	shalt  }
0x53: {  	_ =	shalt  }
0x54: {  	_ =	shalt  }
0x55: {  	_ =	shalt  }
0x56: {  	_ =	shalt  }
0x57: {  	_ =	shalt  }
0x58: {  	_ =	shalt  }
0x59: {  	_ =	shalt  }
0x5a: {  	_ =	shalt  }
0x5b: {  	_ =	shalt  }
0x5c: {  	_ =	shalt  }
0x5d: {  	_ =	shalt  }
0x5e: {  	_ =	shalt  }
0x5f: {  	_ =	shalt  }
0x60: {  	_ =	shalt  }
0x61: {  	_ =	shalt  }
0x62: {  	_ =	shalt  }
0x63: {  	_ =	shalt  }
0x64: {  	_ =	shalt  }
0x65: {  	_ =	shalt  }
0x66: {  	_ =	shalt  }
0x67: {  	_ =	shalt  }
0x68: {  	_ =	shalt  }
0x69: {  	_ =	shalt  }
0x6a: {  	_ =	shalt  }
0x6b: {  	_ =	shalt  }
0x6c: {  	_ =	shalt  }
0x6d: {  	_ =	shalt  }
0x6e: {  	_ =	shalt  }
0x6f: {  	_ =	shalt  }
0x70: {  	_ =	shalt  }
0x71: {  	_ =	shalt  }
0x72: {  	_ =	shalt  }
0x73: {  	_ =	shalt  }
0x74: {  	_ =	shalt  }
0x75: {  	_ =	shalt  }
0x76: {  	_ =	shalt  }
0x77: {  	_ =	shalt  }
0x78: {  	_ =	shalt  }
0x79: {  	_ =	shalt  }
0x7a: {  	_ =	shalt  }
0x7b: {  	_ =	shalt  }
0x7c: {  	_ =	shalt  }
0x7d: {  	_ =	shalt  }
0x7e: {  	_ =	shalt  }
0x7f: {  	_ =	shalt  }
0x80: {  	_ =	shalt  }
0x81: {  	_ =	shalt  }
0x82: {  	_ =	shalt  }
0x83: {  	_ =	shalt  }
0x84: {  	_ =	shalt  }
0x85: {  	_ =	shalt  }
0x86: {  	_ =	shalt  }
0x87: {  	_ =	shalt  }
.Lfunc_end0:
.L_simem_size_0:
called_computation.1_lowered:
.L_overlay_start_0:
0x88: {  	s2 =	sld [smem:$0x3FD9]  }
0x89: {  	s3 =	sld [smem:$0x3FFE];
	_ =	sdelay $0x1  }
0x8a: {  	s1 =	srdreg.scid  }
0x8b: {  	s0 =	sand.u32 $0x1, s1  }
0x8c: {  	s17 =	sshll.u32 s0, $0xA;
	s2 =	sadd.s32 s3, s2  }
0x8d: {  	s2 =	sadd.s32 s2, s17  }
0x8e: {  	[smem:$0x3FC6] =	sst s2  }
0x8f: {  	_ = 	snop  }
0x90: {  	s2 =	sld [smem:$0x3FD0];
	(tm) =	ssettm $0x1  }
0x91: {  	s18 =	sld [smem:$0x3FFB];
	_ =	sdelay $0x3  }
0x92: {  	_ =	strace s18  }
0x93: {  	s3 =	sld [smem:$0x3FFC];
	_ =	sdelay $0x3  }
0x94: {  	_ =	strace s3  }
0x95: {  	s3 =	sld [smem:$0x3FFD];
	_ =	sdelay $0x3  }
0x96: {  	_ =	strace s3  }
0x97: {  	_ =	strace $0x8FFFFFFF  }
0x98: {  	s19 =	sld [smem:$0x3FDB];
	_ =	sdelay $0x1  }
0x99: {  	s4 =	simm.s32 $_scs_section_size  }
0x9a: {  	s5 =	simm.s32 $_size__tile_overlayer_lowered;
	s6 =	simm.s32 $_tile_overlayer_lowered  }
0x9b: {  	s22 =	simm.s32 $0x1BFF;
	s21 =	sshll.u32 s6, $0x1;
	s3 =	sadd.s32 s4, s19  }
0x9c: {  	s7 =	simm.s32 $0x0;
	s20 =	sshll.u32 s5, $0x1;
	s5 =	sadd.s32 s21, s3  }
0x9d: {  	[timem:s7], [sflag:s22] =	dma.local [hbm:s5], s20  }
0x9e: {  	_ =	swait.ge [sflag:s22], s20  }
0x9f: {  	s4 =	ssub.s32 $0x0, s20;
	[sflag:s22] =	ssyncset.done $0x0  }
0xa0: {  	[sflag:s22] =	ssyncadd.s32 s4;
	_ =	sdelay $0x1  }
0xa1: {  	s23 =	simm.s32 $0x1B8B  }
0xa2: {  	_ =	swait.ge [sflag:s23], $0x1  }
0xa3: {  	[sflag:s23] =	ssyncset.done $0x0  }
0xa4: {  	s25 =	simm.s32 $0x1B8E;
	s24 =	sld [smem:$0x3FFE];
	[sflag:s23] =	ssyncadd.s32 $0xFFFFFFFF  }
0xa5: {  	s26 =	simm.s32 $execute0_lowered;
	[smem:$0x3FD2] =	sst s25  }
0xa6: {  	s5 =	sshll.u32 s26, $0x1;
	_ =	strace $0x80000049;
	[dreg:$0x1] =	wrdreg $0xFFFFFFFF  }
0xa7: {  	s28 =	simm.s32 $_size_execute0_lowered;
	s3 =	sadd.s32 s3, s5;
	[dreg:$0x0] =	wrdreg $0x0  }
0xa8: {  	s5 =	sshll.u32 s28, $0x1;
	[dreg:$0x2] =	wrdreg s3  }
0xa9: {  	[dreg:$0x3] =	wrdreg s5  }
0xaa: {  	[dreg:$0x4] =	wrdreg $0xC0  }
0xab: {  	_ =	task [dreg:s7], $0x5FFFF  }
0xac: {  	[dreg:$0x1] =	wrdreg $0xFFFFFFFF  }
0xad: {  	[dreg:$0x0] =	wrdreg $0x60  }
0xae: {  	[dreg:$0x2] =	wrdreg s24  }
0xaf: {  	[dreg:$0x3] =	wrdreg s2  }
0xb0: {  	[dreg:$0x4] =	wrdreg $0x9  }
0xb1: {  	_ =	task.clear_ibuf [dreg:s7], $0x5FFFF;
	_ =	strace $0x90000049  }
0xb2: {  	s29 =	simm.s32 $0x9;
	_ =	strace $0x8000004B  }
0xb3: {  	_ =	swait.ge [sflag:s29], $0x1  }
0xb4: {  	[sflag:s29] =	ssyncadd.s32 $0xFFFFFFFF  }
0xb5: {  	_ =	strace $0x9000004B  }
0xb6: {  	_ =	sfence  }
0xb7: {  	s30 =	sld [smem:$0x0];
	_ =	sdelay $0x2  }
0xb8: {  	s31 =	sshll.u32 s1, $0xD;
	s1 =	sshrl.u32 s1, $0x2  }
0xb9: {  	s3 =	sand.u32 $0x4000, s31;
	s1 =	sadd.s32 s1, s30  }
0xba: {  	s0 =	sor.u32 s3, s0;
	s1 =	sshll.u32 s1, $0x11  }
0xbb: {  	s0 =	sor.u32 s1, s0  }
0xbc: {  	s0 =	sadd.s32 $0x8F2B, s0  }
0xbd: {  	[sflag:s0] =	ssyncadd.remote.s32 $0x1  }
0xbe: {  	_ =	sfence.sel $0xFFFF  }
0xbf: {  	[dreg:$0x0] =	wrdreg $0xFFFFFFFF;
	(pc) =	sbr.abs _section_cstart, $3  }
0xc0: {  	[dreg:$0x1] =	wrdreg $0xFFFFFFFF  }
0xc1: {  	_ =	task.clear_ibuf [dreg:s7], $0x2FFFF;
	_ =	strace $0x9FFFFFFF  }
0xc2: {  	(tm) =	ssettm $0x7FFFFFFF  }
0xc3: {  	_ =	shalt  }
tec
execute0_lowered:
.L_overlay_start_1:
0x0: {  	(tag) =	ssettag $0x1  }
0x1: {  	s3 =	rddreg [dreg:$0x0]  }
0x2: {  	s4 =	rddreg [dreg:$0x1]  }
0x3: {  	s2 =	srdreg.scid;
	s1 =	stileid.u32  }
0x4: {  	s10 =	simm.s32 $0x4000;
	s11 =	simm.s32 $0x4680;
	s12 =	simm.s32 $0x1  }
0x5: {  	s13 =	simm.s32 $0x4340;
	s14 =	simm.s32 $0xAE80;
	s15 =	simm.s32 $0x40  }
0x6: {  	s16 =	simm.s32 $0x80;
	s17 =	simm.s32 $0x2;
	s18 =	simm.s32 $0x3  }
0x7: {  	s19 =	simm.s32 $0x4;
	s20 =	simm.s32 $0x0;
	s5 =	sand.u32 $0x1, s2  }
0x8: {  	s2 =	simm.s32 $0x0;
	s6 =	sshll.u32 s1, $0xC;
	s8 =	sshll.u32 s1, $0xA  }
0x9: {  	v0 =	vlaneseq.u32;
	s7 =	sshll.u32 s5, $0xB;
	[smem:$0x7FF] =	sst s2;
	s31 =	ssub.s32 $0x2, s5  }
.Ltmp0:
0xa: {  	v0 =	vmul.u32 $0x20, v0;
	s8 =	sadd.s32 s8, s4;
	s5 =	sshll.u32 s5, $0x9;
	(pc) =	sbr.rel .LBB2_1-.Ltmp0, $4  }
0xb: {  	v8 =	vimm.s32 $0x0;
	vm0 =	vcmask $0x300;
	s6 =	sor.u32 s7, s6;
	_ =	strace $0x8000004A;
	s9 =	sshrl.u32 s31, $0x1  }
0xc: {  	v8 =	vsel vm0, $0x3, v8;
	s5 =	sadd.s32 s5, s8;
	s8 =	simm.s32 $0x5;
	v1 =	vor.u32 $0x200, v0;
	s6 =	sadd.s32 s6, s3  }
0xd: {  	v2 =	vor.u32 $0x400, v0;
	v3 =	vor.u32 $0x600, v0;
	v4 =	vor.u32 $0xC, v0;
	s3 =	sadd.s32 $0x3D1200, s3;
	s7 =	ssub.s32 s31, s9;
	s9 =	simm.s32 $0x340  }
0xe: {  	v5 =	vor.u32 $0x20C, v0;
	v6 =	vor.u32 $0x40C, v0;
	v7 =	vor.u32 $0x60C, v0;
	s4 =	sadd.s32 $0x7A1C00, s6;
	s6 =	smax.u32 s7, $0x1;
	s7 =	sadd.s32 $0x8, s5  }
.LBB2_22:
0xf: {  	_ =	swait.ge [sflag:s18], $0x800  }
0x10: {  	[sflag:s18] =	ssyncset.done $0x0  }
0x11: {  	[sflag:s18] =	ssyncadd.s32 $0xFFFFF800  }
0x12: {  	_ =	swait.ge [sflag:s18], $0x800  }
0x13: {  	[sflag:s18] =	ssyncset.done $0x0  }
0x14: {  	[sflag:s18] =	ssyncadd.s32 $0xFFFFF800  }
0x15: {  	_ =	swait.ge [sflag:s18], $0x800  }
0x16: {  	[sflag:s18] =	ssyncset.done $0x0  }
0x17: {  	[sflag:s18] =	ssyncadd.s32 $0xFFFFF800  }
0x18: {  	_ =	swait.ge [sflag:s18], $0x800  }
0x19: {  	[sflag:s18] =	ssyncset.done $0x0  }
0x1a: {  	[sflag:s18] =	ssyncadd.s32 $0xFFFFF800  }
0x1b: {  	_ =	swait.ge [sflag:s18], $0x800  }
0x1c: {  	[sflag:s18] =	ssyncset.done $0x0  }
0x1d: {  	[sflag:s18] =	ssyncadd.s32 $0xFFFFF800  }
0x1e: {  	_ =	swait.ge [sflag:s18], $0x800  }
0x1f: {  	[sflag:s18] =	ssyncset.done $0x0  }
0x20: {  	[sflag:s18] =	ssyncadd.s32 $0xFFFFF800  }
0x21: {  	_ =	swait.ge [sflag:s18], $0x800  }
0x22: {  	[sflag:s18] =	ssyncset.done $0x0  }
0x23: {  	[sflag:s18] =	ssyncadd.s32 $0xFFFFF800  }
0x24: {  	_ =	swait.ge [sflag:s18], $0x800  }
0x25: {  	[sflag:s18] =	ssyncset.done $0x0  }
0x26: {  	[sflag:s18] =	ssyncadd.s32 $0xFFFFF800  }
0x27: {  	_ =	swait.ge [sflag:s18], $0x800  }
0x28: {  	[sflag:s18] =	ssyncset.done $0x0  }
0x29: {  	[sflag:s18] =	ssyncadd.s32 $0xFFFFF800  }
0x2a: {  	_ =	swait.ge [sflag:s18], $0x800  }
0x2b: {  	[sflag:s18] =	ssyncset.done $0x0  }
0x2c: {  	[sflag:s18] =	ssyncadd.s32 $0xFFFFF800  }
0x2d: {  	_ =	swait.ge [sflag:s18], $0x800  }
0x2e: {  	[sflag:s18] =	ssyncset.done $0x0  }
0x2f: {  	[sflag:s18] =	ssyncadd.s32 $0xFFFFF800  }
0x30: {  	_ =	swait.ge [sflag:s18], $0x800  }
0x31: {  	[sflag:s18] =	ssyncset.done $0x0  }
0x32: {  	[sflag:s18] =	ssyncadd.s32 $0xFFFFF800  }
0x33: {  	_ =	swait.ge [sflag:s18], $0x800  }
0x34: {  	[sflag:s18] =	ssyncset.done $0x0  }
0x35: {  	[sflag:s18] =	ssyncadd.s32 $0xFFFFF800  }
0x36: {  	_ =	swait.ge [sflag:s19], $0x800  }
0x37: {  	[sflag:s19] =	ssyncset.done $0x0  }
0x38: {  	[sflag:s19] =	ssyncadd.s32 $0xFFFFF800  }
0x39: {  	_ =	swait.ge [sflag:s19], $0x800  }
0x3a: {  	[sflag:s19] =	ssyncset.done $0x0  }
0x3b: {  	[sflag:s19] =	ssyncadd.s32 $0xFFFFF800  }
0x3c: {  	_ =	swait.ge [sflag:s19], $0x800  }
0x3d: {  	[sflag:s19] =	ssyncset.done $0x0  }
0x3e: {  	[sflag:s19] =	ssyncadd.s32 $0xFFFFF800  }
0x3f: {  	_ =	swait.ge [sflag:s19], $0x800  }
0x40: {  	[sflag:s19] =	ssyncset.done $0x0  }
0x41: {  	[sflag:s19] =	ssyncadd.s32 $0xFFFFF800  }
0x42: {  	_ =	swait.ge [sflag:s19], $0x800  }
0x43: {  	[sflag:s19] =	ssyncset.done $0x0  }
0x44: {  	[sflag:s19] =	ssyncadd.s32 $0xFFFFF800  }
0x45: {  	_ =	swait.ge [sflag:s19], $0x800  }
0x46: {  	[sflag:s19] =	ssyncset.done $0x0  }
0x47: {  	[sflag:s19] =	ssyncadd.s32 $0xFFFFF800  }
0x48: {  	_ =	swait.ge [sflag:s19], $0x800  }
0x49: {  	[sflag:s19] =	ssyncset.done $0x0  }
0x4a: {  	[sflag:s19] =	ssyncadd.s32 $0xFFFFF800  }
0x4b: {  	_ =	swait.ge [sflag:s19], $0x800  }
0x4c: {  	[sflag:s19] =	ssyncset.done $0x0  }
0x4d: {  	[sflag:s19] =	ssyncadd.s32 $0xFFFFF800  }
0x4e: {  	_ =	swait.ge [sflag:s19], $0x800  }
0x4f: {  	[sflag:s19] =	ssyncset.done $0x0  }
0x50: {  	[sflag:s19] =	ssyncadd.s32 $0xFFFFF800  }
0x51: {  	_ =	swait.ge [sflag:s19], $0x800  }
0x52: {  	[sflag:s19] =	ssyncset.done $0x0  }
0x53: {  	[sflag:s19] =	ssyncadd.s32 $0xFFFFF800  }
0x54: {  	_ =	swait.ge [sflag:s19], $0x800  }
0x55: {  	[sflag:s19] =	ssyncset.done $0x0  }
0x56: {  	s20 =	sadd.s32 $0x1, s20;
	[sflag:s19] =	ssyncadd.s32 $0xFFFFF800  }
0x57: {  	p0 =	sne.s32 s20, s6;
	_ =	swait.ge [sflag:s19], $0x800  }
.Ltmp1:
0x58: {  	[sflag:s19] =	ssyncset.done $0x0;
	(pc) =	sbr.rel @!p0 .LBB2_23-.Ltmp1, $4  }
0x59: {  	[sflag:s19] =	ssyncadd.s32 $0xFFFFF800  }
0x5a: {  	_ =	swait.ge [sflag:s19], $0x800  }
0x5b: {  	[sflag:s19] =	ssyncset.done $0x0  }
0x5c: {  	[sflag:s19] =	ssyncadd.s32 $0xFFFFF800  }
.LBB2_1:
0x5d: {  	v9 =	vmov s2;
	s21 =	simm.s32 $0x1  }
0x5e: {  	s22 =	simm.s32 $0x3;
	v10 =	vmov s21;
	v9 =	vand.u32 $0xC, v9  }
0x5f: {  	s31 =	simm.s32 $0x2;
	v11 =	vmov s22;
	v10 =	vand.u32 $0xD, v10;
	v9 =	vbroadcast v9, $0x0  }
0x60: {  	v12 =	vmov s31;
	v11 =	vand.u32 $0xF, v11;
	v10 =	vbroadcast v10, $0x0  }
0x61: {  	v12 =	vand.u32 $0xE, v12;
	v11 =	vbroadcast v11, $0x0;
	v13 =	vor.u32 v0, v9  }
0x62: {  	[tilespmem:s2], [sflag:$0x5] =	stream.linear.gather [hbm4b:s4+s2], $0x4000, $0x38;
	v12 =	vbroadcast v12, $0x0;
	v14 =	vor.u32 v0, v10;
	[tilespmem:$0x1E680] =	vst v63  }
0x63: {  	_ =	swait.ge [sflag:s8], $0x4000;
	v15 =	vor.u32 v0, v11  }
0x64: {  	[sflag:s8] =	ssyncset.done $0x0;
	v16 =	vor.u32 v0, v12  }
0x65: {  	[sflag:s8] =	ssyncadd.s32 $0xFFFFC000  }
0x66: {  	v13 =	vld.idx.msk [tilespmem:v13+s2+$0x0], $0xffff  }
0x67: {  	v17 =	vor.u32 v1, v9;
	v14 =	vld.idx.msk [tilespmem:v14+s2+$0x0], $0xffff  }
0x68: {  	v18 =	vor.u32 v1, v10;
	v15 =	vld.idx.msk [tilespmem:v15+s2+$0x0], $0xffff  }
0x69: {  	v19 =	vor.u32 v1, v11;
	v16 =	vld.idx.msk [tilespmem:v16+s2+$0x0], $0xffff  }
0x6a: {  	s21 =	simm.s32 $0x4080;
	v20 =	vor.u32 v1, v12  }
0x6b: {  	[tilespmem:s21+$0xFFFFFF80] =	vst v13  }
0x6c: {  	v13 =	vld.idx.msk [tilespmem:v17+s2+$0x0], $0xffff;
	[tilespmem:s21+$0xFFFFFFC0] =	vst v14  }
0x6d: {  	[tilespmem:s21+$0x40] =	vst v15;
	v15 =	vor.u32 v2, v9;
	v14 =	vld.idx.msk [tilespmem:v18+s2+$0x0], $0xffff  }
0x6e: {  	v58 =	vor.u32 v2, v10;
	[tilespmem:s21+$0x0] =	vst v16;
	v57 =	vld.idx.msk [tilespmem:v19+s2+$0x0], $0xffff  }
0x6f: {  	v60 =	vor.u32 v2, v11;
	v59 =	vld.idx.msk [tilespmem:v20+s2+$0x0], $0xffff  }
0x70: {  	v61 =	vor.u32 v2, v12  }
0x71: {  	[tilespmem:s21+$0xFFFFFF90] =	vst v13  }
0x72: {  	v13 =	vld.idx.msk [tilespmem:v15+s2+$0x0], $0xffff;
	[tilespmem:s21+$0xFFFFFFD0] =	vst v14  }
0x73: {  	v9 =	vor.u32 v3, v9;
	[tilespmem:s21+$0x50] =	vst v57;
	v14 =	vld.idx.msk [tilespmem:v58+s2+$0x0], $0xffff  }
0x74: {  	v10 =	vor.u32 v3, v10;
	[tilespmem:s21+$0x10] =	vst v59;
	v15 =	vld.idx.msk [tilespmem:v60+s2+$0x0], $0xffff  }
0x75: {  	v11 =	vor.u32 v3, v11;
	v62 =	vld.idx.msk [tilespmem:v61+s2+$0x0], $0xffff  }
0x76: {  	v63 =	vor.u32 v3, v12  }
0x77: {  	[tilespmem:s21+$0xFFFFFFA0] =	vst v13  }
0x78: {  	v12 =	vld.idx.msk [tilespmem:v9+s2+$0x0], $0xffff;
	[tilespmem:s21+$0xFFFFFFE0] =	vst v14  }
0x79: {  	[tilespmem:s21+$0x60] =	vst v15;
	v10 =	vld.idx.msk [tilespmem:v10+s2+$0x0], $0xffff  }
0x7a: {  	[tilespmem:s21+$0x20] =	vst v62;
	v11 =	vld.idx.msk [tilespmem:v11+s2+$0x0], $0xffff  }
0x7b: {  	s23 =	simm.s32 $0x4080;
	s22 =	simm.s32 $0x4;
	v9 =	vld.idx.msk [tilespmem:v63+s2+$0x0], $0xffff  }
.LBB2_2:
0x7c: {  	p0 =	slt.u32 s22, $0x8  }
0x7d: {  	s23 =	sadd.s32 $0x100, s23;
	s24 =	smov.u32 s22;
	s22 =	sadd.s32 $0x4, s22;
	[tilespmem:s21+$0xFFFFFFB0] =	vst v12  }
0x7e: {  	v12 =	vmov s24;
	s25 =	sadd.s32 $0x1, s24;
	s26 =	sadd.s32 $0x2, s24;
	s24 =	sadd.s32 $0x3, s24;
	[tilespmem:s21+$0xFFFFFFF0] =	vst v10  }
0x7f: {  	v10 =	vmov s25;
	v13 =	vmov s26;
	v14 =	vmov s24;
	[tilespmem:s21+$0x70] =	vst v11  }
0x80: {  	v11 =	vand.u32 $0xC, v12;
	v10 =	vand.u32 $0xD, v10;
	v12 =	vand.u32 $0xE, v13;
	[tilespmem:s21+$0x30] =	vst v9;
	s21 =	smov.u32 s23  }
0x81: {  	v9 =	vbroadcast v11, $0x0;
	v10 =	vbroadcast v10, $0x0;
	v11 =	vand.u32 $0xF, v14  }
0x82: {  	v12 =	vbroadcast v12, $0x0;
	v11 =	vbroadcast v11, $0x0  }
0x83: {  	v13 =	vor.u32 v0, v9;
	v14 =	vor.u32 v0, v10  }
0x84: {  	v15 =	vor.u32 v0, v12;
	v16 =	vor.u32 v0, v11;
	_ =	sdelay $0x3  }
0x85: {  	v13 =	vld.idx.msk [tilespmem:v13+s2+$0x0], $0xffff  }
0x86: {  	v14 =	vld.idx.msk [tilespmem:v14+s2+$0x0], $0xffff  }
0x87: {  	v17 =	vor.u32 v1, v9;
	v16 =	vld.idx.msk [tilespmem:v16+s2+$0x0], $0xffff  }
0x88: {  	v18 =	vor.u32 v1, v10;
	v15 =	vld.idx.msk [tilespmem:v15+s2+$0x0], $0xffff  }
0x89: {  	v19 =	vor.u32 v1, v12;
	v20 =	vor.u32 v1, v11;
	_ =	sdelay $0x1  }
0x8a: {  	[tilespmem:s23+$0xFFFFFF80] =	vst v13  }
0x8b: {  	v13 =	vld.idx.msk [tilespmem:v17+s2+$0x0], $0xffff;
	[tilespmem:s23+$0xFFFFFFC0] =	vst v14  }
0x8c: {  	v14 =	vld.idx.msk [tilespmem:v18+s2+$0x0], $0xffff;
	[tilespmem:s23+$0x40] =	vst v16  }
0x8d: {  	v16 =	vor.u32 v2, v9;
	[tilespmem:s23+$0x0] =	vst v15;
	v15 =	vld.idx.msk [tilespmem:v20+s2+$0x0], $0xffff  }
0x8e: {  	v17 =	vor.u32 v2, v10;
	v18 =	vld.idx.msk [tilespmem:v19+s2+$0x0], $0xffff  }
0x8f: {  	v20 =	vor.u32 v2, v11;
	v19 =	vor.u32 v2, v12;
	_ =	sdelay $0x1  }
0x90: {  	[tilespmem:s23+$0xFFFFFF90] =	vst v13  }
0x91: {  	v13 =	vld.idx.msk [tilespmem:v16+s2+$0x0], $0xffff;
	[tilespmem:s23+$0xFFFFFFD0] =	vst v14  }
0x92: {  	v14 =	vld.idx.msk [tilespmem:v17+s2+$0x0], $0xffff;
	[tilespmem:s23+$0x50] =	vst v15  }
0x93: {  	v9 =	vor.u32 v3, v9;
	[tilespmem:s23+$0x10] =	vst v18;
	v15 =	vld.idx.msk [tilespmem:v20+s2+$0x0], $0xffff  }
0x94: {  	v10 =	vor.u32 v3, v10;
	v16 =	vld.idx.msk [tilespmem:v19+s2+$0x0], $0xffff  }
0x95: {  	v11 =	vor.u32 v3, v11;
	v17 =	vor.u32 v3, v12;
	_ =	sdelay $0x1  }
.Ltmp2:
0x96: {  	[tilespmem:s23+$0xFFFFFFA0] =	vst v13;
	(pc) =	sbr.rel @p0 .LBB2_2-.Ltmp2, $4  }
0x97: {  	v12 =	vld.idx.msk [tilespmem:v9+s2+$0x0], $0xffff;
	[tilespmem:s23+$0xFFFFFFE0] =	vst v14  }
0x98: {  	v10 =	vld.idx.msk [tilespmem:v10+s2+$0x0], $0xffff;
	[tilespmem:s23+$0x60] =	vst v15  }
0x99: {  	[tilespmem:s23+$0x20] =	vst v16;
	v11 =	vld.idx.msk [tilespmem:v11+s2+$0x0], $0xffff  }
0x9a: {  	v9 =	vld.idx.msk [tilespmem:v17+s2+$0x0], $0xffff  }
0x9b: {  	_ = 	snop  }
0x9c: {  	[tilespmem:s21+$0xFFFFFFB0] =	vst v12  }
0x9d: {  	[tilespmem:s21+$0xFFFFFFF0] =	vst v10  }
0x9e: {  	[tilespmem:s21+$0x70] =	vst v11  }
0x9f: {  	[tilespmem:s21+$0x30] =	vst v9;
	s21 =	simm.s32 $0x0  }
0xa0: {  	v9 =	vld.idx.msk [tilespmem:v4+s21+$0x0], $0xffff;
	_ =	sdelay $0x4  }
0xa1: {  	[tilespmem:$0x4300] =	vst v9  }
0xa2: {  	v9 =	vld.idx.msk [tilespmem:v5+s21+$0x0], $0xffff;
	_ =	sdelay $0x4  }
0xa3: {  	[tilespmem:$0x4310] =	vst v9  }
0xa4: {  	v9 =	vld.idx.msk [tilespmem:v6+s21+$0x0], $0xffff;
	_ =	sdelay $0x4  }
0xa5: {  	[tilespmem:$0x4320] =	vst v9  }
0xa6: {  	v9 =	vld.idx.msk [tilespmem:v7+s21+$0x0], $0xffff;
	_ =	sdelay $0x4  }
0xa7: {  	s22 =	simm.s32 $0x0;
	[tilespmem:$0x4330] =	vst v9  }
0xa8: {  	[tilespmem:s11], [sflag:$0x1] =	stream.indirect.gather [hbm4b:s3+s9], $0x20, s10, s9, $0xb8;
	[tilespmem:$0x1E680] =	vst v63  }
.LBB2_4:
0xa9: {  	s23 =	sand.u32 $0x1, s22  }
0xaa: {  	s24 =	simm.s32 $0xD;
	p0 =	seq.s32 s23, $0x1  }
0xab: {  	s24 =	simm.s32 @!p0 $0x0  }
0xac: {  	s23 =	sadd.s32 $0xFFFFFFFC, s24  }
0xad: {  	s25 =	sshll.u32 s22, $0x6;
	s26 =	sadd.s32 $0x7, s23  }
0xae: {  	s28 =	sor.u32 $0x40, s25;
	v9 =	vmov s26  }
0xaf: {  	v10 =	vmov s28;
	s30 =	sadd.s32 $0x4, s23;
	v9 =	vand.u32 $0x1F, v9  }
0xb0: {  	v10 =	vshll.u32 v10, $0x5;
	v11 =	vmov s30;
	v14 =	vbroadcast v9, $0x0  }
0xb1: {  	v9 =	vor.u32 v0, v10;
	v10 =	vand.u32 $0x1D, v11  }
0xb2: {  	s31 =	sadd.s32 $0x5, s23;
	v15 =	vbroadcast v10, $0x0;
	v11 =	vor.u32 v9, v14  }
0xb3: {  	v10 =	vmov s31  }
0xb4: {  	s0 =	sor.u32 $0x50, s25;
	s23 =	sadd.s32 $0x6, s23;
	v10 =	vand.u32 $0x1F, v10;
	v12 =	vor.u32 v9, v15  }
0xb5: {  	v13 =	vmov s0;
	v16 =	vmov s23;
	v17 =	vbroadcast v10, $0x0  }
0xb6: {  	v10 =	vshll.u32 v13, $0x5;
	v13 =	vand.u32 $0x1F, v16  }
0xb7: {  	v10 =	vor.u32 v0, v10;
	v18 =	vbroadcast v13, $0x0;
	v13 =	vor.u32 v9, v17;
	v16 =	vld.idx.msk [tilespmem:v11+s2+$0x0], $0xffff  }
0xb8: {  	v19 =	vor.u32 v10, v14  }
0xb9: {  	v20 =	vor.u32 v9, v18;
	v12 =	vld.idx.msk [tilespmem:v12+s2+$0x0], $0xffff  }
0xba: {  	s30 =	sor.u32 $0x60, s25;
	s31 =	sor.u32 $0x70, s25;
	v21 =	vor.u32 v10, v15  }
0xbb: {  	s28 =	sadd.s32 $0x0, s24;
	s26 =	simm.s32 $0x43C0;
	v22 =	vmov s31;
	v11 =	vmov s30  }
0xbc: {  	s0 =	sadd.s32 $0x7, s28;
	v22 =	vshll.u32 v22, $0x5;
	v24 =	vor.u32 v10, v18;
	v11 =	vshll.u32 v11, $0x5;
	v23 =	vld.idx.msk [tilespmem:v13+s2+$0x0], $0xffff;
	[tilespmem:s26+$0x40] =	vst v16  }
0xbd: {  	s30 =	sadd.s32 $0x5, s28;
	v11 =	vor.u32 v0, v11;
	v13 =	vmov s0;
	v16 =	vor.u32 v10, v17;
	v19 =	vld.idx.msk [tilespmem:v19+s2+$0x0], $0xffff  }
0xbe: {  	s29 =	sadd.s32 $0x4, s28;
	v26 =	vmov s30;
	v25 =	vor.u32 v11, v14;
	v20 =	vld.idx.msk [tilespmem:v20+s2+$0x0], $0xffff;
	v13 =	vand.u32 $0x1F, v13;
	[tilespmem:s26+$0xFFFFFF80] =	vst v12  }
0xbf: {  	v26 =	vand.u32 $0x1F, v26;
	v13 =	vbroadcast v13, $0x0;
	v12 =	vmov s29;
	v21 =	vld.idx.msk [tilespmem:v21+s2+$0x0], $0xffff  }
0xc0: {  	s31 =	sadd.s32 $0x6, s28;
	v27 =	vor.u32 v11, v15;
	v26 =	vbroadcast v26, $0x0;
	v12 =	vand.u32 $0x1D, v12  }
0xc1: {  	v28 =	vbroadcast v12, $0x0;
	[tilespmem:s26+$0xFFFFFFC0] =	vst v23;
	v12 =	vmov s31;
	v23 =	vor.u32 v9, v13  }
0xc2: {  	v30 =	vld.idx.msk [tilespmem:v16+s2+$0x0], $0xffff;
	v16 =	vand.u32 $0x1F, v12;
	v12 =	vor.u32 v0, v22;
	v22 =	vor.u32 v9, v26;
	[tilespmem:s26+$0x50] =	vst v19  }
0xc3: {  	[tilespmem:s26+$0x0] =	vst v20;
	v19 =	vor.u32 v9, v28;
	v32 =	vld.idx.msk [tilespmem:v25+s2+$0x0], $0xffff  }
0xc4: {  	v36 =	vor.u32 v11, v17;
	v33 =	vld.idx.msk [tilespmem:v24+s2+$0x0], $0xffff;
	v20 =	vbroadcast v16, $0x0;
	[tilespmem:s26+$0xFFFFFF90] =	vst v21  }
0xc5: {  	v21 =	vor.u32 v12, v14;
	v35 =	vld.idx.msk [tilespmem:v27+s2+$0x0], $0xffff  }
0xc6: {  	v38 =	vor.u32 v11, v18;
	v34 =	vor.u32 v9, v20;
	v37 =	vld.idx.msk [tilespmem:v23+s2+$0x0], $0xffff  }
0xc7: {  	v24 =	vor.u32 v10, v26;
	v16 =	vor.u32 v12, v15;
	v29 =	vld.idx.msk [tilespmem:v22+s2+$0x0], $0xffff;
	[tilespmem:s26+$0xFFFFFFD0] =	vst v30  }
0xc8: {  	v15 =	vor.u32 v12, v17;
	v31 =	vld.idx.msk [tilespmem:v19+s2+$0x0], $0xffff;
	[tilespmem:s26+$0x60] =	vst v32;
	v32 =	vor.u32 v10, v13  }
0xc9: {  	v25 =	vor.u32 v10, v28;
	v22 =	vor.u32 v12, v28;
	v19 =	vor.u32 v11, v28;
	v28 =	vld.idx.msk [tilespmem:v36+s2+$0x0], $0xffff  }
0xca: {  	v17 =	vor.u32 v11, v26;
	v14 =	vor.u32 v12, v18;
	[tilespmem:s26+$0x10] =	vst v33;
	v27 =	vld.idx.msk [tilespmem:v21+s2+$0x0], $0xffff  }
0xcb: {  	s28 =	simm.s32 $0x44C0;
	v23 =	vor.u32 v10, v20;
	v18 =	vor.u32 v11, v20;
	v30 =	vld.idx.msk [tilespmem:v34+s2+$0x0], $0xffff;
	[tilespmem:s26+$0xFFFFFFA0] =	vst v35  }
0xcc: {  	s23 =	sand.u32 $0xFFFFFF80, s21;
	s29 =	simm.s32 $0x4;
	v20 =	vor.u32 v12, v20;
	v21 =	vor.u32 v12, v26;
	[tilespmem:s28+$0x40] =	vst v37;
	v26 =	vld.idx.msk [tilespmem:v38+s2+$0x0], $0xffff  }
.LBB2_5:
0xcd: {  	s30 =	sadd.s32 s29, s24;
	s29 =	sadd.s32 $0x4, s29;
	[tilespmem:s28+$0xFFFFFF80] =	vst v31;
	v31 =	vld.idx.msk [tilespmem:v32+s2+$0x0], $0xffff  }
0xce: {  	s31 =	sadd.s32 $0x4, s30;
	s0 =	sadd.s32 $0x7, s30;
	p1 =	slt.u32 s29, $0x8;
	v32 =	vld.idx.msk [tilespmem:v25+s2+$0x0], $0xffff;
	[tilespmem:s28+$0xFFFFFFC0] =	vst v29  }
0xcf: {  	v25 =	vmov s31;
	s31 =	sadd.s32 $0x5, s30;
	s30 =	sadd.s32 $0x6, s30;
	v29 =	vmov s0;
	v33 =	vld.idx.msk [tilespmem:v24+s2+$0x0], $0xffff;
	v24 =	vor.u32 v11, v13;
	[tilespmem:s26+$0x70] =	vst v27  }
0xd0: {  	v27 =	vmov s31;
	v34 =	vmov s30;
	v29 =	vand.u32 $0x1F, v29;
	[tilespmem:s28+$0x0] =	vst v30;
	v30 =	vld.idx.msk [tilespmem:v16+s2+$0x0], $0xffff;
	v16 =	vmovc v22  }
0xd1: {  	v22 =	vand.u32 $0x1D, v25;
	v25 =	vand.u32 $0x1F, v27;
	v27 =	vbroadcast v29, $0x0;
	v29 =	vld.idx.msk [tilespmem:v23+s2+$0x0], $0xffff;
	[tilespmem:s26+$0xFFFFFFE0] =	vst v28  }
0xd2: {  	v22 =	vbroadcast v22, $0x0;
	v23 =	vand.u32 $0x1F, v34;
	v28 =	vbroadcast v25, $0x0;
	v34 =	vld.idx.msk [tilespmem:v15+s2+$0x0], $0xffff;
	[tilespmem:s26+$0x20] =	vst v26;
	v15 =	vmovc v21  }
0xd3: {  	v26 =	vbroadcast v23, $0x0;
	v35 =	vor.u32 v9, v27;
	[tilespmem:s28+$0x50] =	vst v31;
	v36 =	vld.idx.msk [tilespmem:v14+s2+$0x0], $0xffff;
	v14 =	vmov v20  }
0xd4: {  	v31 =	vor.u32 v9, v22;
	v25 =	vor.u32 v10, v22;
	v37 =	vor.u32 v9, v28;
	v38 =	vld.idx.msk [tilespmem:v24+s2+$0x0], $0xffff  }
0xd5: {  	v24 =	vor.u32 v10, v28;
	v39 =	vor.u32 v9, v26;
	v23 =	vor.u32 v10, v26;
	[tilespmem:s28+$0xFFFFFF90] =	vst v32  }
0xd6: {  	v40 =	vor.u32 v11, v28;
	v32 =	vor.u32 v11, v22;
	[tilespmem:s28+$0xFFFFFFD0] =	vst v33;
	v33 =	vor.u32 v12, v13  }
0xd7: {  	v41 =	vor.u32 v11, v26;
	v22 =	vor.u32 v12, v22;
	v13 =	vmov v27;
	v42 =	vld.idx.msk [tilespmem:v19+s2+$0x0], $0xffff;
	[tilespmem:s28+$0x10] =	vst v29  }
0xd8: {  	v21 =	vor.u32 v12, v28;
	v20 =	vor.u32 v12, v26;
	v19 =	vmov v32;
	v26 =	vld.idx.msk [tilespmem:v35+s2+$0x0], $0xffff;
	[tilespmem:s26+$0xFFFFFFB0] =	vst v30  }
0xd9: {  	v31 =	vld.idx.msk [tilespmem:v31+s2+$0x0], $0xffff;
	[tilespmem:s26+$0xFFFFFFF0] =	vst v34  }
.Ltmp3:
0xda: {  	v32 =	vor.u32 v10, v13;
	v29 =	vld.idx.msk [tilespmem:v37+s2+$0x0], $0xffff;
	[tilespmem:s28+$0x60] =	vst v38;
	(pc) =	sbr.rel @p1 .LBB2_5-.Ltmp3, $4  }
0xdb: {  	v27 =	vld.idx.msk [tilespmem:v33+s2+$0x0], $0xffff;
	[tilespmem:s26+$0x30] =	vst v36;
	s26 =	smov.u32 s28  }
0xdc: {  	v30 =	vld.idx.msk [tilespmem:v39+s2+$0x0], $0xffff  }
0xdd: {  	s28 =	sadd.s32 $0x100, s28;
	[tilespmem:s26+$0xFFFFFFA0] =	vst v42;
	v28 =	vld.idx.msk [tilespmem:v17+s2+$0x0], $0xffff;
	v17 =	vmov v40  }
0xde: {  	[tilespmem:s28+$0x40] =	vst v26;
	v26 =	vld.idx.msk [tilespmem:v18+s2+$0x0], $0xffff;
	v18 =	vmov v41  }
0xdf: {  	_ =	sdelay $0x3  }
0xe0: {  	[tilespmem:s28+$0xFFFFFF80] =	vst v31;
	v31 =	vld.idx.msk [tilespmem:v32+s2+$0x0], $0xffff  }
0xe1: {  	[tilespmem:s28+$0xFFFFFFC0] =	vst v29;
	v29 =	vor.u32 v11, v13;
	v25 =	vld.idx.msk [tilespmem:v25+s2+$0x0], $0xffff  }
0xe2: {  	v24 =	vld.idx.msk [tilespmem:v24+s2+$0x0], $0xffff;
	[tilespmem:s28+$0x0] =	vst v30  }
0xe3: {  	[tilespmem:s26+$0x70] =	vst v27;
	v23 =	vld.idx.msk [tilespmem:v23+s2+$0x0], $0xffff  }
0xe4: {  	[tilespmem:s26+$0xFFFFFFE0] =	vst v28  }
0xe5: {  	v16 =	vld.idx.msk [tilespmem:v16+s2+$0x0], $0xffff;
	[tilespmem:s28+$0x50] =	vst v31  }
0xe6: {  	v27 =	vld.idx.msk [tilespmem:v29+s2+$0x0], $0xffff;
	[tilespmem:s28+$0xFFFFFF90] =	vst v25  }
0xe7: {  	v13 =	vor.u32 v12, v13;
	[tilespmem:s28+$0xFFFFFFD0] =	vst v24;
	v19 =	vld.idx.msk [tilespmem:v19+s2+$0x0], $0xffff  }
0xe8: {  	v17 =	vld.idx.msk [tilespmem:v17+s2+$0x0], $0xffff;
	[tilespmem:s28+$0x10] =	vst v23  }
0xe9: {  	[tilespmem:s26+$0x20] =	vst v26;
	v18 =	vld.idx.msk [tilespmem:v18+s2+$0x0], $0xffff  }
0xea: {  	v15 =	vld.idx.msk [tilespmem:v15+s2+$0x0], $0xffff;
	[tilespmem:s26+$0xFFFFFFB0] =	vst v16  }
0xeb: {  	v14 =	vld.idx.msk [tilespmem:v14+s2+$0x0], $0xffff;
	[tilespmem:s28+$0x60] =	vst v27  }
0xec: {  	s0 =	sadd.s32 $0xC, s24;
	v13 =	vld.idx.msk [tilespmem:v13+s2+$0x0], $0xffff;
	[tilespmem:s28+$0xFFFFFFA0] =	vst v19  }
0xed: {  	v16 =	vmov s0;
	[tilespmem:s28+$0xFFFFFFE0] =	vst v17;
	v19 =	vld.idx.msk [tilespmem:v22+s2+$0x0], $0xffff  }
0xee: {  	v17 =	vld.idx.msk [tilespmem:v21+s2+$0x0], $0xffff;
	[tilespmem:s28+$0x20] =	vst v18;
	v18 =	vand.u32 $0x18, v16  }
0xef: {  	[tilespmem:s26+$0xFFFFFFF0] =	vst v15;
	v16 =	vand.u32 $0x5, v16;
	v15 =	vld.idx.msk [tilespmem:v20+s2+$0x0], $0xffff;
	v9 =	vor.u32 v18, v9  }
0xf0: {  	[tilespmem:s26+$0x30] =	vst v14;
	v9 =	vor.u32 v16, v9  }
0xf1: {  	[tilespmem:s28+$0x70] =	vst v13  }
0xf2: {  	[tilespmem:s28+$0xFFFFFFB0] =	vst v19  }
0xf3: {  	[tilespmem:s28+$0xFFFFFFF0] =	vst v17  }
0xf4: {  	[tilespmem:s28+$0x30] =	vst v15  }
0xf5: {  	v10 =	vor.u32 v18, v10;
	v9 =	vld.idx.msk [tilespmem:v9+s2+$0x0], $0xffff  }
0xf6: {  	v10 =	vor.u32 v16, v10;
	_ =	sdelay $0x3  }
0xf7: {  	[tilespmem:$0x4640] =	vst v9  }
0xf8: {  	v9 =	vld.idx.msk [tilespmem:v10+s2+$0x0], $0xffff;
	v10 =	vor.u32 v18, v11  }
0xf9: {  	v10 =	vor.u32 v16, v10;
	_ =	sdelay $0x3  }
0xfa: {  	[tilespmem:$0x4650] =	vst v9  }
0xfb: {  	v9 =	vld.idx.msk [tilespmem:v10+s2+$0x0], $0xffff;
	v10 =	vor.u32 v18, v12  }
0xfc: {  	v10 =	vor.u32 v16, v10;
	_ =	sdelay $0x3  }
0xfd: {  	[tilespmem:$0x4660] =	vst v9  }
0xfe: {  	v9 =	vld.idx.msk [tilespmem:v10+s2+$0x0], $0xffff;
	_ =	sdelay $0x4  }
0xff: {  	[tilespmem:$0x4670] =	vst v9  }
0x100: {  	_ =	swait.ge [sflag:s12], $0x6800  }
0x101: {  	p1 =	seq.s32 s22, $0x0;
	[sflag:s12] =	ssyncset.done $0x0  }
0x102: {  	s0 =	simm.s32 @!p1 $0x4;
	[sflag:s12] =	ssyncadd.s32 $0xFFFF9800  }
0x103: {  	_ =	swait.ge @!p1 [sflag:s0], $0x800  }
0x104: {  	[sflag:s0] =	ssyncset.done @!p1 $0x0  }
0x105: {  	[sflag:s0] =	ssyncadd.s32 @!p1 $0xFFFFF800  }
0x106: {  	_ =	swait.ge @!p1 [sflag:s0], $0x800  }
0x107: {  	[sflag:s0] =	ssyncset.done @!p1 $0x0  }
0x108: {  	[sflag:s0] =	ssyncadd.s32 @!p1 $0xFFFFF800  }
0x109: {  	_ =	swait.ge @!p1 [sflag:s0], $0x800  }
0x10a: {  	[sflag:s0] =	ssyncset.done @!p1 $0x0  }
0x10b: {  	[sflag:s0] =	ssyncadd.s32 @!p1 $0xFFFFF800  }
0x10c: {  	_ =	swait.ge @!p1 [sflag:s0], $0x800  }
0x10d: {  	[sflag:s0] =	ssyncset.done @!p1 $0x0  }
0x10e: {  	[sflag:s0] =	ssyncadd.s32 @!p1 $0xFFFFF800  }
0x10f: {  	_ =	swait.ge @!p1 [sflag:s0], $0x800  }
0x110: {  	[sflag:s0] =	ssyncset.done @!p1 $0x0  }
0x111: {  	[sflag:s0] =	ssyncadd.s32 @!p1 $0xFFFFF800  }
0x112: {  	_ =	swait.ge @!p1 [sflag:s0], $0x800  }
0x113: {  	[sflag:s0] =	ssyncset.done @!p1 $0x0  }
0x114: {  	[sflag:s0] =	ssyncadd.s32 @!p1 $0xFFFFF800  }
0x115: {  	_ =	swait.ge @!p1 [sflag:s0], $0x800  }
0x116: {  	[sflag:s0] =	ssyncset.done @!p1 $0x0  }
0x117: {  	[sflag:s0] =	ssyncadd.s32 @!p1 $0xFFFFF800  }
0x118: {  	_ =	swait.ge @!p1 [sflag:s0], $0x800  }
0x119: {  	[sflag:s0] =	ssyncset.done @!p1 $0x0  }
0x11a: {  	[sflag:s0] =	ssyncadd.s32 @!p1 $0xFFFFF800  }
0x11b: {  	_ =	swait.ge @!p1 [sflag:s0], $0x800  }
0x11c: {  	[sflag:s0] =	ssyncset.done @!p1 $0x0  }
0x11d: {  	[sflag:s0] =	ssyncadd.s32 @!p1 $0xFFFFF800  }
0x11e: {  	_ =	swait.ge @!p1 [sflag:s0], $0x800  }
0x11f: {  	[sflag:s0] =	ssyncset.done @!p1 $0x0  }
0x120: {  	[sflag:s0] =	ssyncadd.s32 @!p1 $0xFFFFF800  }
0x121: {  	_ =	swait.ge @!p1 [sflag:s0], $0x800  }
0x122: {  	[sflag:s0] =	ssyncset.done @!p1 $0x0  }
0x123: {  	[sflag:s0] =	ssyncadd.s32 @!p1 $0xFFFFF800  }
0x124: {  	_ =	swait.ge @!p1 [sflag:s0], $0x800  }
0x125: {  	[sflag:s0] =	ssyncset.done @!p1 $0x0  }
0x126: {  	[sflag:s0] =	ssyncadd.s32 @!p1 $0xFFFFF800  }
0x127: {  	_ =	swait.ge @!p1 [sflag:s0], $0x800  }
0x128: {  	s26 =	simm.s32 $0x0;
	[sflag:s0] =	ssyncset.done @!p1 $0x0  }
0x129: {  	[sflag:s0] =	ssyncadd.s32 @!p1 $0xFFFFF800;
	s0 =	sand.u32 $0x18, s26  }
0x12a: {  	v9 =	vmov s0  }
0x12b: {  	s30 =	simm.s32 $0x0;
	v9 =	vshrl.u32 v9, $0x3  }
0x12c: {  	s28 =	sand.u32 $0xFFFFFFC0, s30;
	v9 =	vshll.u32 v9, v8  }
0x12d: {  	v10 =	vmov s28;
	v11 =	vor.u32 $0x1, v9  }
0x12e: {  	v10 =	vshll.u32 v10, $0x5;
	v12 =	vor.u32 $0x2, v9;
	v11 =	vbroadcast v11, $0x0  }
0x12f: {  	v10 =	vor.u32 v0, v10;
	v13 =	vor.u32 $0x3, v9;
	v12 =	vbroadcast v12, $0x0  }
0x130: {  	v15 =	vor.u32 $0x4, v9;
	v13 =	vbroadcast v13, $0x0;
	v14 =	vor.u32 v10, v11  }
0x131: {  	v16 =	vor.u32 $0x5, v9;
	v18 =	vbroadcast v15, $0x0;
	v17 =	vor.u32 v10, v12  }
0x132: {  	v19 =	vbroadcast v16, $0x0;
	v15 =	vor.u32 $0x6, v9;
	v20 =	vor.u32 v10, v13  }
0x133: {  	s26 =	sor.u32 $0x10, s28;
	v21 =	vbroadcast v15, $0x0;
	v15 =	vor.u32 $0x7, v9;
	v22 =	vor.u32 v10, v18  }
0x134: {  	[tilespmem:s14], [sflag:$0x2] =	stream.indirect.gather [hbm4b:s3+s9], $0x20, s13, s9, $0xb8;
	v15 =	vbroadcast v15, $0x0;
	v23 =	vor.u32 v10, v19;
	[tilespmem:$0x1E680] =	vst v63  }
0x135: {  	v24 =	vmov s26;
	v16 =	vbroadcast v9, $0x0;
	v25 =	vor.u32 v10, v21;
	v9 =	vld.idx.msk [tilespmem:v14+s11+$0x0], $0xffff  }
0x136: {  	v14 =	vshll.u32 v24, $0x5;
	v24 =	vor.u32 v10, v15;
	v17 =	vld.idx.msk [tilespmem:v17+s11+$0x0], $0xffff  }
0x137: {  	s31 =	simm.s32 $0x0;
	v10 =	vor.u32 v16, v10;
	v20 =	vld.idx.msk [tilespmem:v20+s11+$0x0], $0xffff;
	v14 =	vor.u32 v0, v14  }
0x138: {  	s26 =	sand.u32 $0x3FFFF800, s31;
	s0 =	sshll.u32 s0, $0x6;
	v22 =	vld.idx.msk [tilespmem:v22+s11+$0x0], $0xffff;
	v26 =	vor.u32 v14, v13  }
0x139: {  	s0 =	sor.u32 s0, s26;
	v23 =	vld.idx.msk [tilespmem:v23+s11+$0x0], $0xffff;
	v27 =	vor.u32 v14, v18  }
0x13a: {  	s26 =	sadd.s32 $0x11680, s0;
	v25 =	vld.idx.msk [tilespmem:v25+s11+$0x0], $0xffff;
	v28 =	vor.u32 v14, v19  }
0x13b: {  	s29 =	sor.u32 $0x20, s28;
	v30 =	vor.u32 v14, v21;
	[tilespmem:s26+$0x40] =	vst v9;
	v9 =	vld.idx.msk [tilespmem:v24+s11+$0x0], $0xffff  }
0x13c: {  	v29 =	vmov s29;
	v10 =	vld.idx.msk [tilespmem:v10+s11+$0x0], $0xffff;
	[tilespmem:s26+$0xC0] =	vst v20  }
0x13d: {  	v24 =	vshll.u32 v29, $0x5;
	[tilespmem:s26+$0x100] =	vst v22;
	v26 =	vld.idx.msk [tilespmem:v26+s11+$0x0], $0xffff  }
0x13e: {  	v29 =	vor.u32 v14, v12;
	[tilespmem:s26+$0x140] =	vst v23;
	v22 =	vor.u32 v0, v24;
	v24 =	vld.idx.msk [tilespmem:v27+s11+$0x0], $0xffff  }
0x13f: {  	v20 =	vor.u32 v14, v11;
	[tilespmem:s26+$0x180] =	vst v25;
	v27 =	vld.idx.msk [tilespmem:v28+s11+$0x0], $0xffff  }
0x140: {  	v28 =	vld.idx.msk [tilespmem:v30+s11+$0x0], $0xffff;
	v30 =	vor.u32 v16, v14;
	v14 =	vor.u32 v14, v15  }
0x141: {  	[tilespmem:s26+$0x80] =	vst v17;
	v23 =	vor.u32 v22, v13  }
0x142: {  	v25 =	vor.u32 v22, v18;
	[tilespmem:s26+$0x1C0] =	vst v9  }
0x143: {  	v17 =	vor.u32 v22, v19;
	v29 =	vld.idx.msk [tilespmem:v29+s11+$0x0], $0xffff;
	[tilespmem:s0+$0x11680] =	vst v10  }
0x144: {  	v9 =	vor.u32 v22, v21;
	v20 =	vld.idx.msk [tilespmem:v20+s11+$0x0], $0xffff;
	[tilespmem:s26+$0xD0] =	vst v26  }
0x145: {  	s28 =	sor.u32 $0x30, s28;
	[tilespmem:s26+$0x110] =	vst v24;
	v14 =	vld.idx.msk [tilespmem:v14+s11+$0x0], $0xffff  }
0x146: {  	v26 =	vmov s28;
	[tilespmem:s26+$0x150] =	vst v27;
	v27 =	vor.u32 v22, v11;
	v23 =	vld.idx.msk [tilespmem:v23+s11+$0x0], $0xffff  }
0x147: {  	[tilespmem:s26+$0x190] =	vst v28;
	v24 =	vshll.u32 v26, $0x5;
	v26 =	vor.u32 v22, v12;
	v25 =	vld.idx.msk [tilespmem:v25+s11+$0x0], $0xffff  }
0x148: {  	v28 =	vor.u32 v16, v22;
	v17 =	vld.idx.msk [tilespmem:v17+s11+$0x0], $0xffff;
	v22 =	vor.u32 v22, v15;
	v24 =	vor.u32 v0, v24  }
0x149: {  	v10 =	vor.u32 v24, v18;
	v9 =	vld.idx.msk [tilespmem:v9+s11+$0x0], $0xffff;
	[tilespmem:s26+$0x90] =	vst v29  }
0x14a: {  	s28 =	simm.s32 $0x8;
	v18 =	vor.u32 v24, v19;
	v19 =	vld.idx.msk [tilespmem:v30+s11+$0x0], $0xffff;
	[tilespmem:s26+$0x50] =	vst v20  }
0x14b: {  	s29 =	sand.u32 $0x18, s28;
	v27 =	vld.idx.msk [tilespmem:v27+s11+$0x0], $0xffff;
	[tilespmem:s26+$0x1D0] =	vst v14  }
0x14c: {  	v20 =	vor.u32 v24, v21;
	v21 =	vmov s29;
	v26 =	vld.idx.msk [tilespmem:v26+s11+$0x0], $0xffff;
	[tilespmem:s26+$0xE0] =	vst v23  }
0x14d: {  	s30 =	simm.s32 $0x10;
	v13 =	vor.u32 v24, v13;
	v16 =	vor.u32 v16, v24;
	v21 =	vshrl.u32 v21, $0x3;
	[tilespmem:s26+$0x120] =	vst v25;
	v22 =	vld.idx.msk [tilespmem:v22+s11+$0x0], $0xffff  }
0x14e: {  	s30 =	sand.u32 $0xFFFFFFC0, s30;
	v21 =	vshll.u32 v21, v8;
	v25 =	vor.u32 v24, v12;
	[tilespmem:s26+$0x160] =	vst v17;
	v12 =	vld.idx.msk [tilespmem:v10+s11+$0x0], $0xffff  }
0x14f: {  	v23 =	vor.u32 v24, v11;
	v11 =	vmov s30;
	v10 =	vor.u32 $0x1, v21;
	v18 =	vld.idx.msk [tilespmem:v18+s11+$0x0], $0xffff;
	[tilespmem:s26+$0x10] =	vst v19  }
0x150: {  	v17 =	vor.u32 $0x2, v21;
	v11 =	vshll.u32 v11, $0x5;
	[tilespmem:s26+$0x1A0] =	vst v9;
	v9 =	vbroadcast v10, $0x0;
	v28 =	vld.idx.msk [tilespmem:v28+s11+$0x0], $0xffff  }
0x151: {  	v29 =	vor.u32 $0x3, v21;
	v19 =	vld.idx.msk [tilespmem:v20+s11+$0x0], $0xffff;
	v20 =	vor.u32 v0, v11;
	v10 =	vbroadcast v17, $0x0;
	[tilespmem:s26+$0x60] =	vst v27  }
0x152: {  	v11 =	vbroadcast v29, $0x0;
	v17 =	vld.idx.msk [tilespmem:v13+s11+$0x0], $0xffff;
	v13 =	vor.u32 $0x4, v21;
	v29 =	vor.u32 v20, v9;
	[tilespmem:s26+$0xA0] =	vst v26  }
0x153: {  	v14 =	vor.u32 $0x5, v21;
	v30 =	vbroadcast v13, $0x0;
	v26 =	vor.u32 v20, v10;
	[tilespmem:s26+$0x1E0] =	vst v22  }
0x154: {  	v31 =	vbroadcast v14, $0x0;
	v13 =	vor.u32 $0x6, v21;
	v27 =	vor.u32 v20, v11;
	v23 =	vld.idx.msk [tilespmem:v23+s11+$0x0], $0xffff;
	[tilespmem:s26+$0x130] =	vst v12  }
0x155: {  	v14 =	vor.u32 $0x7, v21;
	v13 =	vbroadcast v13, $0x0;
	v59 =	vor.u32 v20, v30;
	v25 =	vld.idx.msk [tilespmem:v25+s11+$0x0], $0xffff;
	[tilespmem:s26+$0x20] =	vst v28  }
0x156: {  	s0 =	sor.u32 $0x10, s30;
	v12 =	vbroadcast v14, $0x0;
	[tilespmem:s26+$0x170] =	vst v18;
	v18 =	vor.u32 v20, v31;
	v62 =	vld.idx.msk [tilespmem:v16+s11+$0x0], $0xffff  }
0x157: {  	v33 =	vmov s0;
	v34 =	vor.u32 v20, v13;
	v14 =	vbroadcast v21, $0x0;
	[tilespmem:s26+$0x1B0] =	vst v19;
	v19 =	vld.idx.msk [tilespmem:v29+s11+$0x0], $0xffff  }
0x158: {  	s31 =	simm.s32 $0x200;
	v21 =	vshll.u32 v33, $0x5;
	[tilespmem:s26+$0xF0] =	vst v17;
	v29 =	vor.u32 v20, v12;
	v17 =	vld.idx.msk [tilespmem:v26+s11+$0x0], $0xffff  }
0x159: {  	s0 =	sand.u32 $0x3FFFF800, s31;
	s29 =	sshll.u32 s29, $0x6;
	v21 =	vor.u32 v0, v21;
	v20 =	vor.u32 v14, v20;
	v26 =	vld.idx.msk [tilespmem:v27+s11+$0x0], $0xffff;
	[tilespmem:s26+$0x70] =	vst v23  }
0x15a: {  	s0 =	sor.u32 s29, s0;
	v22 =	vor.u32 v21, v10;
	v27 =	vld.idx.msk [tilespmem:v59+s11+$0x0], $0xffff;
	[tilespmem:s26+$0xB0] =	vst v25  }
0x15b: {  	s29 =	sadd.s32 $0x11680, s0;
	v28 =	vor.u32 v21, v11;
	v18 =	vld.idx.msk [tilespmem:v18+s11+$0x0], $0xffff;
	[tilespmem:s26+$0x30] =	vst v62  }
0x15c: {  	v23 =	vor.u32 v21, v30;
	v60 =	vld.idx.msk [tilespmem:v34+s11+$0x0], $0xffff;
	[tilespmem:s29+$0x40] =	vst v19  }
0x15d: {  	s31 =	sor.u32 $0x20, s30;
	v25 =	vor.u32 v21, v31;
	v19 =	vld.idx.msk [tilespmem:v29+s11+$0x0], $0xffff;
	[tilespmem:s29+$0x80] =	vst v17  }
0x15e: {  	v29 =	vor.u32 v21, v13;
	v20 =	vld.idx.msk [tilespmem:v20+s11+$0x0], $0xffff;
	v17 =	vmov s31;
	[tilespmem:s29+$0xC0] =	vst v26  }
0x15f: {  	v26 =	vor.u32 v21, v9;
	v22 =	vld.idx.msk [tilespmem:v22+s11+$0x0], $0xffff;
	v17 =	vshll.u32 v17, $0x5;
	[tilespmem:s29+$0x100] =	vst v27  }
0x160: {  	v15 =	vor.u32 v24, v15;
	v28 =	vld.idx.msk [tilespmem:v28+s11+$0x0], $0xffff;
	v24 =	vor.u32 v0, v17;
	[tilespmem:s29+$0x140] =	vst v18  }
0x161: {  	v17 =	vld.idx.msk [tilespmem:v23+s11+$0x0], $0xffff;
	[tilespmem:s29+$0x180] =	vst v60;
	v18 =	vor.u32 v24, v11  }
0x162: {  	v23 =	vld.idx.msk [tilespmem:v25+s11+$0x0], $0xffff;
	v25 =	vor.u32 v24, v30;
	[tilespmem:s29+$0x1C0] =	vst v19  }
0x163: {  	v61 =	vor.u32 v24, v31;
	v27 =	vld.idx.msk [tilespmem:v29+s11+$0x0], $0xffff;
	[tilespmem:s0+$0x11680] =	vst v20  }
0x164: {  	v63 =	vor.u32 v24, v13;
	v16 =	vld.idx.msk [tilespmem:v26+s11+$0x0], $0xffff;
	[tilespmem:s29+$0x90] =	vst v22  }
0x165: {  	s31 =	sor.u32 $0x30, s30;
	v19 =	vor.u32 v14, v21;
	v29 =	vld.idx.msk [tilespmem:v15+s11+$0x0], $0xffff;
	[tilespmem:s29+$0xD0] =	vst v28  }
0x166: {  	v15 =	vmov s31;
	v20 =	vor.u32 v21, v12;
	[tilespmem:s29+$0x110] =	vst v17;
	v28 =	vld.idx.msk [tilespmem:v18+s11+$0x0], $0xffff  }
0x167: {  	v21 =	vor.u32 v24, v10;
	v15 =	vshll.u32 v15, $0x5;
	v22 =	vor.u32 v24, v9;
	v26 =	vld.idx.msk [tilespmem:v25+s11+$0x0], $0xffff;
	[tilespmem:s29+$0x150] =	vst v23  }
0x168: {  	v17 =	vor.u32 v14, v24;
	v15 =	vor.u32 v0, v15;
	v25 =	vld.idx.msk [tilespmem:v61+s11+$0x0], $0xffff;
	[tilespmem:s29+$0x190] =	vst v27  }
0x169: {  	v18 =	vor.u32 v24, v12;
	v23 =	vor.u32 v15, v31;
	v27 =	vor.u32 v15, v30;
	v24 =	vld.idx.msk [tilespmem:v63+s11+$0x0], $0xffff  }
.LBB2_7:
0x16a: {  	s28 =	sadd.s32 $0x8, s28;
	v19 =	vld.idx.msk [tilespmem:v19+s11+$0x0], $0xffff;
	[tilespmem:s29+$0x50] =	vst v16;
	v30 =	vor.u32 v15, v9;
	v31 =	vor.u32 v15, v11  }
0x16b: {  	v32 =	vor.u32 v15, v10;
	v10 =	vor.u32 v15, v13;
	s0 =	sand.u32 $0x18, s28;
	s30 =	sshll.u32 s28, $0x1;
	s31 =	sshll.u32 s28, $0x6;
	v13 =	vld.idx.msk [tilespmem:v20+s11+$0x0], $0xffff;
	[tilespmem:s26+$0x1F0] =	vst v29  }
0x16c: {  	v16 =	vor.u32 v14, v15;
	v15 =	vor.u32 v15, v12;
	v9 =	vmov s0;
	s26 =	sand.u32 $0xFFFFFFC0, s30;
	s30 =	sand.u32 $0x3FFFF800, s31;
	s0 =	sshll.u32 s0, $0x6;
	v14 =	vld.idx.msk [tilespmem:v21+s11+$0x0], $0xffff;
	[tilespmem:s29+$0xE0] =	vst v28  }
0x16d: {  	v11 =	vmov s26;
	v9 =	vshrl.u32 v9, $0x3;
	s30 =	sor.u32 s0, s30;
	s0 =	sor.u32 $0x10, s26;
	s31 =	sor.u32 $0x20, s26;
	v12 =	vld.idx.msk [tilespmem:v22+s11+$0x0], $0xffff;
	[tilespmem:s29+$0x120] =	vst v26  }
0x16e: {  	p1 =	slt.u32 s28, $0x198;
	v11 =	vshll.u32 v11, $0x5;
	v20 =	vshll.u32 v9, v8;
	v21 =	vmov s0;
	s0 =	sor.u32 $0x30, s26;
	v22 =	vld.idx.msk [tilespmem:v27+s11+$0x0], $0xffff;
	[tilespmem:s29+$0x160] =	vst v25;
	s26 =	smov.u32 s29  }
0x16f: {  	v9 =	vor.u32 $0x1, v20;
	v25 =	vor.u32 $0x2, v20;
	v26 =	vor.u32 $0x5, v20;
	v23 =	vld.idx.msk [tilespmem:v23+s11+$0x0], $0xffff;
	[tilespmem:s26+$0x1A0] =	vst v24  }
0x170: {  	v24 =	vor.u32 $0x3, v20;
	v9 =	vbroadcast v9, $0x0;
	v33 =	vbroadcast v26, $0x0;
	[tilespmem:s26+$0x10] =	vst v19;
	v19 =	vld.idx.msk [tilespmem:v10+s11+$0x0], $0xffff  }
0x171: {  	v26 =	vor.u32 v0, v11;
	v10 =	vbroadcast v25, $0x0;
	v11 =	vbroadcast v24, $0x0;
	v24 =	vld.idx.msk [tilespmem:v31+s11+$0x0], $0xffff;
	[tilespmem:s26+$0x1D0] =	vst v13  }
0x172: {  	v27 =	vor.u32 $0x6, v20;
	v13 =	vor.u32 $0x4, v20;
	v25 =	vor.u32 v26, v9;
	v17 =	vld.idx.msk [tilespmem:v17+s11+$0x0], $0xffff;
	[tilespmem:s26+$0xA0] =	vst v14  }
0x173: {  	v28 =	vor.u32 v26, v10;
	v31 =	vbroadcast v13, $0x0;
	v13 =	vbroadcast v27, $0x0;
	[tilespmem:s26+$0x60] =	vst v12;
	v18 =	vld.idx.msk [tilespmem:v18+s11+$0x0], $0xffff  }
0x174: {  	v21 =	vshll.u32 v21, $0x5;
	v27 =	vor.u32 v26, v11;
	v12 =	vor.u32 $0x7, v20;
	v29 =	vld.idx.msk [tilespmem:v30+s11+$0x0], $0xffff;
	[tilespmem:s26+$0x130] =	vst v22  }
0x175: {  	v22 =	vor.u32 v26, v31;
	v30 =	vor.u32 v26, v13;
	v12 =	vbroadcast v12, $0x0;
	v32 =	vld.idx.msk [tilespmem:v32+s11+$0x0], $0xffff;
	[tilespmem:s26+$0x170] =	vst v23  }
0x176: {  	v14 =	vbroadcast v20, $0x0;
	v20 =	vmov s31;
	v23 =	vor.u32 v26, v33;
	[tilespmem:s26+$0x1B0] =	vst v19  }
0x177: {  	v34 =	vshll.u32 v20, $0x5;
	v19 =	vmov s0;
	v20 =	vld.idx.msk [tilespmem:v25+s11+$0x0], $0xffff;
	v25 =	vor.u32 v26, v12;
	[tilespmem:s26+$0xF0] =	vst v24  }
0x178: {  	v24 =	vor.u32 v14, v26;
	v35 =	vshll.u32 v19, $0x5;
	v26 =	vld.idx.msk [tilespmem:v28+s11+$0x0], $0xffff;
	[tilespmem:s26+$0x20] =	vst v17  }
0x179: {  	v17 =	vor.u32 v0, v21;
	v21 =	vld.idx.msk [tilespmem:v27+s11+$0x0], $0xffff;
	[tilespmem:s26+$0x1E0] =	vst v18  }
0x17a: {  	v18 =	vor.u32 v17, v10;
	v27 =	vor.u32 v17, v33;
	v28 =	vor.u32 v17, v13;
	v22 =	vld.idx.msk [tilespmem:v22+s11+$0x0], $0xffff  }
0x17b: {  	v36 =	vor.u32 v17, v9;
	v37 =	vor.u32 v17, v11;
	v23 =	vld.idx.msk [tilespmem:v23+s11+$0x0], $0xffff;
	[tilespmem:s26+$0x70] =	vst v29  }
0x17c: {  	s29 =	sadd.s32 $0x11680, s30;
	v19 =	vor.u32 v14, v17;
	v29 =	vor.u32 v17, v31;
	v30 =	vld.idx.msk [tilespmem:v30+s11+$0x0], $0xffff;
	[tilespmem:s26+$0xB0] =	vst v32  }
0x17d: {  	[tilespmem:s29+$0x40] =	vst v20;
	v25 =	vld.idx.msk [tilespmem:v25+s11+$0x0], $0xffff  }
0x17e: {  	v24 =	vld.idx.msk [tilespmem:v24+s11+$0x0], $0xffff;
	[tilespmem:s29+$0x80] =	vst v26  }
0x17f: {  	v20 =	vor.u32 v17, v12;
	v18 =	vld.idx.msk [tilespmem:v18+s11+$0x0], $0xffff;
	[tilespmem:s29+$0xC0] =	vst v21  }
0x180: {  	v26 =	vld.idx.msk [tilespmem:v37+s11+$0x0], $0xffff;
	[tilespmem:s29+$0x100] =	vst v22  }
0x181: {  	v32 =	vor.u32 v0, v34;
	v34 =	vld.idx.msk [tilespmem:v29+s11+$0x0], $0xffff;
	[tilespmem:s29+$0x140] =	vst v23  }
0x182: {  	v37 =	vor.u32 v32, v33;
	v23 =	vor.u32 v32, v11;
	v27 =	vld.idx.msk [tilespmem:v27+s11+$0x0], $0xffff;
	[tilespmem:s29+$0x180] =	vst v30  }
0x183: {  	v21 =	vor.u32 v32, v10;
	v30 =	vor.u32 v32, v31;
	v38 =	vld.idx.msk [tilespmem:v28+s11+$0x0], $0xffff;
	[tilespmem:s29+$0x1C0] =	vst v25  }
0x184: {  	v17 =	vor.u32 v14, v32;
	v22 =	vor.u32 v32, v9;
	[tilespmem:s30+$0x11680] =	vst v24;
	v39 =	vld.idx.msk [tilespmem:v16+s11+$0x0], $0xffff  }
0x185: {  	v24 =	vor.u32 v32, v13;
	v16 =	vld.idx.msk [tilespmem:v36+s11+$0x0], $0xffff;
	[tilespmem:s29+$0x90] =	vst v18;
	v18 =	vor.u32 v32, v12  }
.Ltmp4:
0x186: {  	[tilespmem:s29+$0xD0] =	vst v26;
	v29 =	vld.idx.msk [tilespmem:v15+s11+$0x0], $0xffff;
	(pc) =	sbr.rel @p1 .LBB2_7-.Ltmp4, $4  }
0x187: {  	v28 =	vld.idx.msk [tilespmem:v23+s11+$0x0], $0xffff;
	[tilespmem:s29+$0x110] =	vst v34  }
0x188: {  	v26 =	vld.idx.msk [tilespmem:v30+s11+$0x0], $0xffff;
	[tilespmem:s29+$0x150] =	vst v27  }
0x189: {  	v15 =	vor.u32 v0, v35;
	v25 =	vld.idx.msk [tilespmem:v37+s11+$0x0], $0xffff;
	[tilespmem:s29+$0x190] =	vst v38  }
0x18a: {  	v23 =	vor.u32 v15, v33;
	v27 =	vor.u32 v15, v31;
	v24 =	vld.idx.msk [tilespmem:v24+s11+$0x0], $0xffff;
	[tilespmem:s26+$0x30] =	vst v39  }
0x18b: {  	_ =	sdelay $0x2  }
0x18c: {  	[tilespmem:s29+$0x50] =	vst v16  }
0x18d: {  	v58 =	vld.idx.msk [tilespmem:v19+s11+$0x0], $0xffff;
	[tilespmem:s26+$0x1F0] =	vst v29  }
0x18e: {  	v59 =	vld.idx.msk [tilespmem:v20+s11+$0x0], $0xffff;
	[tilespmem:s29+$0xE0] =	vst v28  }
0x18f: {  	v60 =	vld.idx.msk [tilespmem:v21+s11+$0x0], $0xffff;
	[tilespmem:s29+$0x120] =	vst v26  }
0x190: {  	v13 =	vor.u32 v15, v13;
	v61 =	vld.idx.msk [tilespmem:v22+s11+$0x0], $0xffff;
	[tilespmem:s29+$0x160] =	vst v25  }
0x191: {  	v11 =	vor.u32 v15, v11;
	v62 =	vld.idx.msk [tilespmem:v27+s11+$0x0], $0xffff;
	[tilespmem:s29+$0x1A0] =	vst v24  }
0x192: {  	v10 =	vor.u32 v15, v10;
	v23 =	vld.idx.msk [tilespmem:v23+s11+$0x0], $0xffff;
	[tilespmem:s29+$0x10] =	vst v58  }
0x193: {  	v9 =	vor.u32 v15, v9;
	[tilespmem:s29+$0x1D0] =	vst v59;
	v16 =	vld.idx.msk [tilespmem:v17+s11+$0x0], $0xffff  }
0x194: {  	v14 =	vor.u32 v14, v15;
	[tilespmem:s29+$0xA0] =	vst v60;
	v63 =	vld.idx.msk [tilespmem:v18+s11+$0x0], $0xffff  }
0x195: {  	v12 =	vor.u32 v15, v12;
	v13 =	vld.idx.msk [tilespmem:v13+s11+$0x0], $0xffff;
	[tilespmem:s29+$0x60] =	vst v61  }
0x196: {  	v11 =	vld.idx.msk [tilespmem:v11+s11+$0x0], $0xffff;
	[tilespmem:s29+$0x130] =	vst v62  }
0x197: {  	v10 =	vld.idx.msk [tilespmem:v10+s11+$0x0], $0xffff;
	[tilespmem:s29+$0x170] =	vst v23  }
0x198: {  	v9 =	vld.idx.msk [tilespmem:v9+s11+$0x0], $0xffff;
	[tilespmem:s29+$0x20] =	vst v16  }
0x199: {  	[tilespmem:s29+$0x1E0] =	vst v63;
	v14 =	vld.idx.msk [tilespmem:v14+s11+$0x0], $0xffff  }
0x19a: {  	[tilespmem:s29+$0x1B0] =	vst v13;
	v12 =	vld.idx.msk [tilespmem:v12+s11+$0x0], $0xffff  }
0x19b: {  	[tilespmem:s29+$0xF0] =	vst v11  }
0x19c: {  	s24 =	sshll.u32 s24, $0x10;
	[tilespmem:s29+$0xB0] =	vst v10  }
0x19d: {  	s0 =	sadd.s32 s24, s5;
	[tilespmem:s29+$0x70] =	vst v9  }
0x19e: {  	s26 =	sadd.s32 s23, s0;
	[tilespmem:s29+$0x30] =	vst v14  }
0x19f: {  	s28 =	simm.s32 $0x11680;
	s0 =	sadd.s32 $0x0, s26;
	[tilespmem:s29+$0x1F0] =	vst v12  }
0x1a0: {  	[hbm4b:s0+s15] =	stream.strided.scatter [tilespmem:s28], [sflag:$0x3], $0x200, s16, s15, $0x38;
	[tilespmem:$0x1E680] =	vst v63  }
0x1a1: {  	s29 =	sadd.s32 $0x4000, s0;
	s28 =	simm.s32 $0x11880  }
0x1a2: {  	[hbm4b:s29+s15] =	stream.strided.scatter [tilespmem:s28], [sflag:$0x3], $0x200, s16, s15, $0x38;
	[tilespmem:$0x1E680] =	vst v63  }
0x1a3: {  	s30 =	simm.s32 $0x11C80;
	s28 =	simm.s32 $0x11A80;
	s29 =	sadd.s32 $0x8000, s0  }
0x1a4: {  	[hbm4b:s29+s15] =	stream.strided.scatter [tilespmem:s28], [sflag:$0x3], $0x200, s16, s15, $0x38;
	[tilespmem:$0x1E680] =	vst v63  }
0x1a5: {  	s31 =	sadd.s32 $0xC000, s0;
	s28 =	simm.s32 $0x10000;
	s29 =	simm.s32 $0x11E80  }
.LBB2_9:
0x1a6: {  	[hbm4b:s31+s15] =	stream.strided.scatter [tilespmem:s30], [sflag:$0x3], $0x200, s16, s15, $0x38;
	[tilespmem:$0x1E680] =	vst v63  }
0x1a7: {  	s0 =	sadd.s32 s28, s26;
	p1 =	sne.s32 s28, $0xC0000;
	s28 =	sadd.s32 $0x10000, s28  }
0x1a8: {  	[hbm4b:s0+s15] =	stream.strided.scatter [tilespmem:s29], [sflag:$0x3], $0x200, s16, s15, $0x38;
	[tilespmem:$0x1E680] =	vst v63  }
.Ltmp5:
0x1a9: {  	s30 =	sadd.s32 $0x200, s29;
	s31 =	sadd.s32 $0x4000, s0;
	(pc) =	sbr.rel @p1 .LBB2_9-.Ltmp5, $4  }
0x1aa: {  	[hbm4b:s31+s15] =	stream.strided.scatter [tilespmem:s30], [sflag:$0x3], $0x200, s16, s15, $0x38;
	[tilespmem:$0x1E680] =	vst v63  }
0x1ab: {  	s30 =	sadd.s32 $0x400, s29;
	s31 =	sadd.s32 $0x8000, s0  }
0x1ac: {  	[hbm4b:s31+s15] =	stream.strided.scatter [tilespmem:s30], [sflag:$0x3], $0x200, s16, s15, $0x38;
	[tilespmem:$0x1E680] =	vst v63  }
0x1ad: {  	s30 =	sadd.s32 $0x600, s29;
	s31 =	sadd.s32 $0xC000, s0;
	s29 =	sadd.s32 $0x800, s29  }
0x1ae: {  	p1 =	seq.s32 s22, $0x7  }
.Ltmp6:
0x1af: {  	_ = 	snop;
	(pc) =	sbr.rel @!p1 .LBB2_11-.Ltmp6, $2  }
0x1b0: {  	_ =	sdelay $0x2  }
0x1b1: {  	[hbm4b:s31+s15] =	stream.strided.scatter [tilespmem:s30], [sflag:$0x3], $0x200, s16, s15, $0x38;
	[tilespmem:$0x1E680] =	vst v63  }
.Ltmp7:
0x1b2: {  	(pc) =	sbr.rel .LBB2_15-.Ltmp7, $4  }
0x1b3: {  	_ = 	snop  }
0x1b4: {  	_ =	swait.ge [sflag:s17], $0x6800  }
0x1b5: {  	[sflag:s17] =	ssyncset.done $0x0  }
0x1b6: {  	[sflag:s17] =	ssyncadd.s32 $0xFFFF9800  }
.LBB2_11:
0x1b7: {  	s26 =	simm.s32 $0x0  }
0x1b8: {  	s26 =	simm.s32 @!p0 $0xD  }
0x1b9: {  	s0 =	sadd.s32 $0xFFFFFFFC, s26  }
0x1ba: {  	s25 =	sadd.s32 $0x40, s25;
	s28 =	sadd.s32 $0x7, s0  }
0x1bb: {  	s25 =	sand.u32 $0xFFFFFF80, s25;
	v9 =	vmov s28  }
0x1bc: {  	v10 =	vmov s25;
	s28 =	sadd.s32 $0x4, s0;
	v9 =	vand.u32 $0x1F, v9  }
0x1bd: {  	v10 =	vshll.u32 v10, $0x5;
	v11 =	vmov s28;
	v14 =	vbroadcast v9, $0x0  }
0x1be: {  	v9 =	vor.u32 v0, v10;
	v10 =	vand.u32 $0x1D, v11  }
0x1bf: {  	s28 =	sadd.s32 $0x5, s0;
	v15 =	vbroadcast v10, $0x0;
	v11 =	vor.u32 v9, v14  }
0x1c0: {  	v10 =	vmov s28  }
0x1c1: {  	s0 =	sadd.s32 $0x6, s0;
	s28 =	sor.u32 $0x10, s25;
	v10 =	vand.u32 $0x1F, v10;
	v12 =	vor.u32 v9, v15  }
0x1c2: {  	v16 =	vmov s0;
	v13 =	vmov s28;
	v17 =	vbroadcast v10, $0x0  }
0x1c3: {  	v10 =	vshll.u32 v13, $0x5;
	v13 =	vand.u32 $0x1F, v16  }
0x1c4: {  	v10 =	vor.u32 v0, v10;
	v18 =	vbroadcast v13, $0x0;
	v13 =	vor.u32 v9, v17;
	v16 =	vld.idx.msk [tilespmem:v11+s2+$0x0], $0xffff  }
0x1c5: {  	v19 =	vor.u32 v10, v14  }
0x1c6: {  	v20 =	vor.u32 v9, v18;
	v12 =	vld.idx.msk [tilespmem:v12+s2+$0x0], $0xffff  }
0x1c7: {  	s31 =	sor.u32 $0x20, s25;
	s30 =	sor.u32 $0x30, s25;
	s28 =	sadd.s32 $0x0, s26;
	v21 =	vor.u32 v10, v15  }
0x1c8: {  	v22 =	vmov s30;
	s25 =	simm.s32 $0x4080;
	s30 =	sadd.s32 $0x5, s28;
	v11 =	vmov s31  }
0x1c9: {  	v22 =	vshll.u32 v22, $0x5;
	v26 =	vmov s30;
	s31 =	sadd.s32 $0x7, s28;
	v11 =	vshll.u32 v11, $0x5;
	v23 =	vld.idx.msk [tilespmem:v13+s2+$0x0], $0xffff;
	[tilespmem:s25+$0x40] =	vst v16  }
0x1ca: {  	v11 =	vor.u32 v0, v11;
	v13 =	vmov s31;
	v16 =	vor.u32 v10, v17;
	v19 =	vld.idx.msk [tilespmem:v19+s2+$0x0], $0xffff  }
0x1cb: {  	s29 =	sadd.s32 $0x4, s28;
	v26 =	vand.u32 $0x1F, v26;
	v25 =	vor.u32 v11, v14;
	v20 =	vld.idx.msk [tilespmem:v20+s2+$0x0], $0xffff;
	v13 =	vand.u32 $0x1F, v13;
	[tilespmem:s25+$0xFFFFFF80] =	vst v12  }
0x1cc: {  	v24 =	vor.u32 v10, v18;
	v13 =	vbroadcast v13, $0x0;
	v12 =	vmov s29;
	v21 =	vld.idx.msk [tilespmem:v21+s2+$0x0], $0xffff  }
0x1cd: {  	v26 =	vbroadcast v26, $0x0;
	v27 =	vor.u32 v11, v15;
	s31 =	sadd.s32 $0x6, s28;
	v12 =	vand.u32 $0x1D, v12  }
0x1ce: {  	v28 =	vbroadcast v12, $0x0;
	[tilespmem:s25+$0xFFFFFFC0] =	vst v23;
	v12 =	vmov s31;
	v23 =	vor.u32 v9, v13  }
0x1cf: {  	v30 =	vld.idx.msk [tilespmem:v16+s2+$0x0], $0xffff;
	v16 =	vand.u32 $0x1F, v12;
	v12 =	vor.u32 v0, v22;
	v22 =	vor.u32 v9, v26;
	[tilespmem:s25+$0x50] =	vst v19  }
0x1d0: {  	[tilespmem:s25+$0x0] =	vst v20;
	v19 =	vor.u32 v9, v28;
	v32 =	vld.idx.msk [tilespmem:v25+s2+$0x0], $0xffff  }
0x1d1: {  	v36 =	vor.u32 v11, v17;
	v33 =	vld.idx.msk [tilespmem:v24+s2+$0x0], $0xffff;
	v20 =	vbroadcast v16, $0x0;
	[tilespmem:s25+$0xFFFFFF90] =	vst v21  }
0x1d2: {  	v21 =	vor.u32 v12, v14;
	v35 =	vld.idx.msk [tilespmem:v27+s2+$0x0], $0xffff  }
0x1d3: {  	v38 =	vor.u32 v11, v18;
	v34 =	vor.u32 v9, v20;
	v37 =	vld.idx.msk [tilespmem:v23+s2+$0x0], $0xffff  }
0x1d4: {  	v24 =	vor.u32 v10, v26;
	v16 =	vor.u32 v12, v15;
	v29 =	vld.idx.msk [tilespmem:v22+s2+$0x0], $0xffff;
	[tilespmem:s25+$0xFFFFFFD0] =	vst v30  }
0x1d5: {  	v15 =	vor.u32 v12, v17;
	v31 =	vld.idx.msk [tilespmem:v19+s2+$0x0], $0xffff;
	[tilespmem:s25+$0x60] =	vst v32;
	v32 =	vor.u32 v10, v13  }
0x1d6: {  	v25 =	vor.u32 v10, v28;
	v22 =	vor.u32 v12, v28;
	v19 =	vor.u32 v11, v28;
	v28 =	vld.idx.msk [tilespmem:v36+s2+$0x0], $0xffff  }
0x1d7: {  	v17 =	vor.u32 v11, v26;
	v14 =	vor.u32 v12, v18;
	[tilespmem:s25+$0x10] =	vst v33;
	v27 =	vld.idx.msk [tilespmem:v21+s2+$0x0], $0xffff  }
0x1d8: {  	s28 =	simm.s32 $0x4180;
	v23 =	vor.u32 v10, v20;
	v18 =	vor.u32 v11, v20;
	v30 =	vld.idx.msk [tilespmem:v34+s2+$0x0], $0xffff;
	[tilespmem:s25+$0xFFFFFFA0] =	vst v35  }
0x1d9: {  	s29 =	simm.s32 $0x4;
	v20 =	vor.u32 v12, v20;
	v21 =	vor.u32 v12, v26;
	[tilespmem:s28+$0x40] =	vst v37;
	v26 =	vld.idx.msk [tilespmem:v38+s2+$0x0], $0xffff  }
.LBB2_12:
0x1da: {  	s0 =	sadd.s32 s29, s26;
	s29 =	sadd.s32 $0x4, s29;
	[tilespmem:s28+$0xFFFFFF80] =	vst v31;
	v31 =	vld.idx.msk [tilespmem:v32+s2+$0x0], $0xffff  }
0x1db: {  	s30 =	sadd.s32 $0x4, s0;
	s31 =	sadd.s32 $0x7, s0;
	p0 =	slt.u32 s29, $0x8;
	v32 =	vld.idx.msk [tilespmem:v25+s2+$0x0], $0xffff;
	[tilespmem:s28+$0xFFFFFFC0] =	vst v29  }
0x1dc: {  	v25 =	vmov s30;
	s30 =	sadd.s32 $0x5, s0;
	s0 =	sadd.s32 $0x6, s0;
	v29 =	vmov s31;
	v33 =	vld.idx.msk [tilespmem:v24+s2+$0x0], $0xffff;
	v24 =	vor.u32 v11, v13;
	[tilespmem:s25+$0x70] =	vst v27  }
0x1dd: {  	v27 =	vmov s30;
	v34 =	vmov s0;
	v29 =	vand.u32 $0x1F, v29;
	[tilespmem:s28+$0x0] =	vst v30;
	v30 =	vld.idx.msk [tilespmem:v16+s2+$0x0], $0xffff;
	v16 =	vmovc v22  }
0x1de: {  	v22 =	vand.u32 $0x1D, v25;
	v25 =	vand.u32 $0x1F, v27;
	v27 =	vbroadcast v29, $0x0;
	v29 =	vld.idx.msk [tilespmem:v23+s2+$0x0], $0xffff;
	[tilespmem:s25+$0xFFFFFFE0] =	vst v28  }
0x1df: {  	v22 =	vbroadcast v22, $0x0;
	v23 =	vand.u32 $0x1F, v34;
	v28 =	vbroadcast v25, $0x0;
	v34 =	vld.idx.msk [tilespmem:v15+s2+$0x0], $0xffff;
	[tilespmem:s25+$0x20] =	vst v26;
	v15 =	vmovc v21  }
0x1e0: {  	v26 =	vbroadcast v23, $0x0;
	v35 =	vor.u32 v9, v27;
	[tilespmem:s28+$0x50] =	vst v31;
	v36 =	vld.idx.msk [tilespmem:v14+s2+$0x0], $0xffff;
	v14 =	vmov v20  }
0x1e1: {  	v31 =	vor.u32 v9, v22;
	v25 =	vor.u32 v10, v22;
	v37 =	vor.u32 v9, v28;
	v38 =	vld.idx.msk [tilespmem:v24+s2+$0x0], $0xffff  }
0x1e2: {  	v24 =	vor.u32 v10, v28;
	v39 =	vor.u32 v9, v26;
	v23 =	vor.u32 v10, v26;
	[tilespmem:s28+$0xFFFFFF90] =	vst v32  }
0x1e3: {  	v40 =	vor.u32 v11, v28;
	v32 =	vor.u32 v11, v22;
	[tilespmem:s28+$0xFFFFFFD0] =	vst v33;
	v33 =	vor.u32 v12, v13  }
0x1e4: {  	v41 =	vor.u32 v11, v26;
	v22 =	vor.u32 v12, v22;
	v13 =	vmov v27;
	v42 =	vld.idx.msk [tilespmem:v19+s2+$0x0], $0xffff;
	[tilespmem:s28+$0x10] =	vst v29  }
0x1e5: {  	v21 =	vor.u32 v12, v28;
	v20 =	vor.u32 v12, v26;
	v19 =	vmov v32;
	v26 =	vld.idx.msk [tilespmem:v35+s2+$0x0], $0xffff;
	[tilespmem:s25+$0xFFFFFFB0] =	vst v30  }
0x1e6: {  	v31 =	vld.idx.msk [tilespmem:v31+s2+$0x0], $0xffff;
	[tilespmem:s25+$0xFFFFFFF0] =	vst v34  }
.Ltmp8:
0x1e7: {  	v32 =	vor.u32 v10, v13;
	v29 =	vld.idx.msk [tilespmem:v37+s2+$0x0], $0xffff;
	[tilespmem:s28+$0x60] =	vst v38;
	(pc) =	sbr.rel @p0 .LBB2_12-.Ltmp8, $4  }
0x1e8: {  	v27 =	vld.idx.msk [tilespmem:v33+s2+$0x0], $0xffff;
	[tilespmem:s25+$0x30] =	vst v36;
	s25 =	smov.u32 s28  }
0x1e9: {  	v30 =	vld.idx.msk [tilespmem:v39+s2+$0x0], $0xffff  }
0x1ea: {  	s28 =	sadd.s32 $0x100, s28;
	[tilespmem:s25+$0xFFFFFFA0] =	vst v42;
	v28 =	vld.idx.msk [tilespmem:v17+s2+$0x0], $0xffff;
	v17 =	vmov v40  }
0x1eb: {  	[tilespmem:s28+$0x40] =	vst v26;
	v26 =	vld.idx.msk [tilespmem:v18+s2+$0x0], $0xffff;
	v18 =	vmov v41  }
0x1ec: {  	_ =	sdelay $0x3  }
0x1ed: {  	[tilespmem:s28+$0xFFFFFF80] =	vst v31;
	v55 =	vld.idx.msk [tilespmem:v32+s2+$0x0], $0xffff  }
0x1ee: {  	[tilespmem:s28+$0xFFFFFFC0] =	vst v29;
	v56 =	vor.u32 v11, v13;
	v25 =	vld.idx.msk [tilespmem:v25+s2+$0x0], $0xffff  }
0x1ef: {  	v24 =	vld.idx.msk [tilespmem:v24+s2+$0x0], $0xffff;
	[tilespmem:s28+$0x0] =	vst v30  }
0x1f0: {  	[tilespmem:s25+$0x70] =	vst v27;
	v23 =	vld.idx.msk [tilespmem:v23+s2+$0x0], $0xffff  }
0x1f1: {  	[tilespmem:s25+$0xFFFFFFE0] =	vst v28  }
0x1f2: {  	v16 =	vld.idx.msk [tilespmem:v16+s2+$0x0], $0xffff;
	[tilespmem:s28+$0x50] =	vst v55  }
0x1f3: {  	v57 =	vld.idx.msk [tilespmem:v56+s2+$0x0], $0xffff;
	[tilespmem:s28+$0xFFFFFF90] =	vst v25  }
0x1f4: {  	v58 =	vor.u32 v12, v13;
	[tilespmem:s28+$0xFFFFFFD0] =	vst v24;
	v19 =	vld.idx.msk [tilespmem:v19+s2+$0x0], $0xffff  }
0x1f5: {  	v17 =	vld.idx.msk [tilespmem:v17+s2+$0x0], $0xffff;
	[tilespmem:s28+$0x10] =	vst v23  }
0x1f6: {  	[tilespmem:s25+$0x20] =	vst v26;
	v18 =	vld.idx.msk [tilespmem:v18+s2+$0x0], $0xffff  }
0x1f7: {  	v15 =	vld.idx.msk [tilespmem:v15+s2+$0x0], $0xffff;
	[tilespmem:s25+$0xFFFFFFB0] =	vst v16  }
0x1f8: {  	v14 =	vld.idx.msk [tilespmem:v14+s2+$0x0], $0xffff;
	[tilespmem:s28+$0x60] =	vst v57  }
0x1f9: {  	s0 =	sadd.s32 $0xC, s26;
	v13 =	vld.idx.msk [tilespmem:v58+s2+$0x0], $0xffff;
	[tilespmem:s28+$0xFFFFFFA0] =	vst v19  }
0x1fa: {  	v60 =	vmov s0;
	[tilespmem:s28+$0xFFFFFFE0] =	vst v17;
	v59 =	vld.idx.msk [tilespmem:v22+s2+$0x0], $0xffff  }
0x1fb: {  	v62 =	vand.u32 $0x18, v60;
	v61 =	vld.idx.msk [tilespmem:v21+s2+$0x0], $0xffff;
	[tilespmem:s28+$0x20] =	vst v18  }
0x1fc: {  	v9 =	vor.u32 v62, v9;
	[tilespmem:s25+$0xFFFFFFF0] =	vst v15;
	v17 =	vand.u32 $0x5, v60;
	v63 =	vld.idx.msk [tilespmem:v20+s2+$0x0], $0xffff  }
0x1fd: {  	[tilespmem:s25+$0x30] =	vst v14;
	v9 =	vor.u32 v17, v9  }
0x1fe: {  	[tilespmem:s28+$0x70] =	vst v13  }
0x1ff: {  	[tilespmem:s28+$0xFFFFFFB0] =	vst v59  }
0x200: {  	[tilespmem:s28+$0xFFFFFFF0] =	vst v61  }
0x201: {  	[tilespmem:s28+$0x30] =	vst v63  }
0x202: {  	v10 =	vor.u32 v62, v10;
	v9 =	vld.idx.msk [tilespmem:v9+s2+$0x0], $0xffff  }
0x203: {  	v10 =	vor.u32 v17, v10;
	_ =	sdelay $0x3  }
0x204: {  	[tilespmem:$0x4300] =	vst v9  }
0x205: {  	v9 =	vld.idx.msk [tilespmem:v10+s2+$0x0], $0xffff;
	v10 =	vor.u32 v62, v11  }
0x206: {  	v10 =	vor.u32 v17, v10;
	_ =	sdelay $0x3  }
0x207: {  	[tilespmem:$0x4310] =	vst v9  }
0x208: {  	v9 =	vld.idx.msk [tilespmem:v10+s2+$0x0], $0xffff;
	v10 =	vor.u32 v62, v12  }
0x209: {  	v10 =	vor.u32 v17, v10;
	_ =	sdelay $0x3  }
0x20a: {  	[tilespmem:$0x4320] =	vst v9  }
0x20b: {  	v9 =	vld.idx.msk [tilespmem:v10+s2+$0x0], $0xffff;
	_ =	sdelay $0x4  }
0x20c: {  	[tilespmem:$0x4330] =	vst v9  }
0x20d: {  	_ =	swait.ge [sflag:s17], $0x6800  }
0x20e: {  	[sflag:s17] =	ssyncset.done $0x0  }
0x20f: {  	[sflag:s17] =	ssyncadd.s32 $0xFFFF9800  }
0x210: {  	_ =	swait.ge [sflag:s18], $0x800  }
0x211: {  	[sflag:s18] =	ssyncset.done $0x0  }
0x212: {  	[sflag:s18] =	ssyncadd.s32 $0xFFFFF800  }
0x213: {  	_ =	swait.ge [sflag:s18], $0x800  }
0x214: {  	[sflag:s18] =	ssyncset.done $0x0  }
0x215: {  	[sflag:s18] =	ssyncadd.s32 $0xFFFFF800  }
0x216: {  	_ =	swait.ge [sflag:s18], $0x800  }
0x217: {  	[sflag:s18] =	ssyncset.done $0x0  }
0x218: {  	[sflag:s18] =	ssyncadd.s32 $0xFFFFF800  }
0x219: {  	_ =	swait.ge [sflag:s18], $0x800  }
0x21a: {  	[sflag:s18] =	ssyncset.done $0x0  }
0x21b: {  	[sflag:s18] =	ssyncadd.s32 $0xFFFFF800  }
0x21c: {  	_ =	swait.ge [sflag:s18], $0x800  }
0x21d: {  	[sflag:s18] =	ssyncset.done $0x0  }
0x21e: {  	[sflag:s18] =	ssyncadd.s32 $0xFFFFF800  }
0x21f: {  	_ =	swait.ge [sflag:s18], $0x800  }
0x220: {  	[sflag:s18] =	ssyncset.done $0x0  }
0x221: {  	[sflag:s18] =	ssyncadd.s32 $0xFFFFF800  }
0x222: {  	_ =	swait.ge [sflag:s18], $0x800  }
0x223: {  	[sflag:s18] =	ssyncset.done $0x0  }
0x224: {  	[sflag:s18] =	ssyncadd.s32 $0xFFFFF800  }
0x225: {  	_ =	swait.ge [sflag:s18], $0x800  }
0x226: {  	[sflag:s18] =	ssyncset.done $0x0  }
0x227: {  	[sflag:s18] =	ssyncadd.s32 $0xFFFFF800  }
0x228: {  	_ =	swait.ge [sflag:s18], $0x800  }
0x229: {  	[sflag:s18] =	ssyncset.done $0x0  }
0x22a: {  	[sflag:s18] =	ssyncadd.s32 $0xFFFFF800  }
0x22b: {  	_ =	swait.ge [sflag:s18], $0x800  }
0x22c: {  	[sflag:s18] =	ssyncset.done $0x0  }
0x22d: {  	[sflag:s18] =	ssyncadd.s32 $0xFFFFF800  }
0x22e: {  	_ =	swait.ge [sflag:s18], $0x800  }
0x22f: {  	[sflag:s18] =	ssyncset.done $0x0  }
0x230: {  	[sflag:s18] =	ssyncadd.s32 $0xFFFFF800  }
0x231: {  	_ =	swait.ge [sflag:s18], $0x800  }
0x232: {  	[sflag:s18] =	ssyncset.done $0x0  }
0x233: {  	[sflag:s18] =	ssyncadd.s32 $0xFFFFF800  }
0x234: {  	_ =	swait.ge [sflag:s18], $0x800  }
0x235: {  	[sflag:s18] =	ssyncset.done $0x0  }
0x236: {  	[sflag:s18] =	ssyncadd.s32 $0xFFFFF800  }
0x237: {  	[tilespmem:s11], [sflag:$0x1] =	stream.indirect.gather [hbm4b:s3+s9], $0x20, s10, s9, $0xb8;
	[tilespmem:$0x1E680] =	vst v63  }
.LBB2_15:
0x238: {  	s0 =	simm.s32 $0x0  }
0x239: {  	s0 =	sand.u32 $0x18, s0  }
0x23a: {  	v9 =	vmov s0  }
0x23b: {  	s25 =	simm.s32 $0x0;
	v9 =	vshrl.u32 v9, $0x3  }
0x23c: {  	s26 =	sand.u32 $0xFFFFFFC0, s25;
	v12 =	vshll.u32 v9, v8  }
0x23d: {  	v9 =	vmov s26;
	v10 =	vor.u32 $0x1, v12  }
0x23e: {  	v11 =	vshll.u32 v9, $0x5;
	v13 =	vor.u32 $0x2, v12;
	v9 =	vbroadcast v10, $0x0  }
0x23f: {  	v14 =	vor.u32 $0x3, v12;
	v15 =	vor.u32 v0, v11;
	v10 =	vbroadcast v13, $0x0  }
0x240: {  	v11 =	vbroadcast v14, $0x0;
	v13 =	vor.u32 $0x4, v12;
	v16 =	vor.u32 v15, v9  }
0x241: {  	v14 =	vor.u32 $0x5, v12;
	v23 =	vbroadcast v13, $0x0;
	v17 =	vor.u32 v15, v10  }
0x242: {  	v24 =	vbroadcast v14, $0x0;
	v13 =	vor.u32 $0x6, v12;
	v18 =	vor.u32 v15, v11  }
0x243: {  	v14 =	vbroadcast v13, $0x0;
	v13 =	vor.u32 $0x7, v12;
	v19 =	vor.u32 v15, v23  }
0x244: {  	s25 =	sor.u32 $0x10, s26;
	v13 =	vbroadcast v13, $0x0;
	v20 =	vor.u32 v15, v24  }
0x245: {  	v21 =	vmov s25;
	v12 =	vbroadcast v12, $0x0;
	v22 =	vor.u32 v15, v14;
	v16 =	vld.idx.msk [tilespmem:v16+s14+$0x0], $0xffff  }
0x246: {  	s30 =	simm.s32 $0x0;
	v21 =	vshll.u32 v21, $0x5;
	v25 =	vor.u32 v15, v13;
	v17 =	vld.idx.msk [tilespmem:v17+s14+$0x0], $0xffff  }
0x247: {  	s0 =	sshll.u32 s0, $0x6;
	s25 =	sand.u32 $0x3FFFF800, s30;
	v21 =	vor.u32 v0, v21;
	v15 =	vor.u32 v12, v15;
	v18 =	vld.idx.msk [tilespmem:v18+s14+$0x0], $0xffff  }
0x248: {  	s0 =	sor.u32 s0, s25;
	v26 =	vor.u32 v21, v10;
	v19 =	vld.idx.msk [tilespmem:v19+s14+$0x0], $0xffff  }
0x249: {  	s25 =	sadd.s32 $0x17E80, s0;
	v27 =	vor.u32 v21, v11;
	v20 =	vld.idx.msk [tilespmem:v20+s14+$0x0], $0xffff  }
0x24a: {  	v28 =	vor.u32 v21, v23;
	v22 =	vld.idx.msk [tilespmem:v22+s14+$0x0], $0xffff;
	[tilespmem:s25+$0x40] =	vst v16  }
0x24b: {  	s28 =	sor.u32 $0x20, s26;
	v29 =	vor.u32 v21, v14;
	v25 =	vld.idx.msk [tilespmem:v25+s14+$0x0], $0xffff;
	[tilespmem:s25+$0x80] =	vst v17  }
0x24c: {  	v15 =	vld.idx.msk [tilespmem:v15+s14+$0x0], $0xffff;
	v16 =	vor.u32 v21, v24;
	v17 =	vmov s28;
	[tilespmem:s25+$0xC0] =	vst v18  }
0x24d: {  	v17 =	vshll.u32 v17, $0x5;
	v18 =	vld.idx.msk [tilespmem:v26+s14+$0x0], $0xffff;
	[tilespmem:s25+$0x100] =	vst v19  }
0x24e: {  	v19 =	vor.u32 v21, v9;
	v26 =	vld.idx.msk [tilespmem:v27+s14+$0x0], $0xffff;
	[tilespmem:s25+$0x140] =	vst v20;
	v30 =	vor.u32 v0, v17  }
0x24f: {  	v17 =	vld.idx.msk [tilespmem:v28+s14+$0x0], $0xffff;
	[tilespmem:s25+$0x180] =	vst v22;
	v27 =	vor.u32 v30, v11  }
0x250: {  	v22 =	vor.u32 v30, v23;
	[tilespmem:s25+$0x1C0] =	vst v25;
	v28 =	vld.idx.msk [tilespmem:v29+s14+$0x0], $0xffff  }
0x251: {  	[tilespmem:s0+$0x17E80] =	vst v15;
	v29 =	vor.u32 v30, v14;
	v16 =	vld.idx.msk [tilespmem:v16+s14+$0x0], $0xffff  }
0x252: {  	p1 =	por $0x1, $0x1;
	s31 =	sor.u32 $0x30, s26;
	v25 =	vor.u32 v30, v24;
	[tilespmem:s25+$0x90] =	vst v18  }
.Ltmp9:
0x253: {  	v15 =	vmov s31;
	v18 =	vld.idx.msk [tilespmem:v19+s14+$0x0], $0xffff;
	[tilespmem:s25+$0xD0] =	vst v26;
	(pc) =	sbr.rel @!p1 .LBB2_16-.Ltmp9, $4  }
0x254: {  	v20 =	vor.u32 v21, v13;
	v19 =	vor.u32 v12, v21;
	[tilespmem:s25+$0x110] =	vst v17;
	v17 =	vshll.u32 v15, $0x5;
	v27 =	vld.idx.msk [tilespmem:v27+s14+$0x0], $0xffff  }
0x255: {  	v21 =	vor.u32 v30, v10;
	v26 =	vld.idx.msk [tilespmem:v22+s14+$0x0], $0xffff;
	v17 =	vor.u32 v0, v17;
	[tilespmem:s25+$0x190] =	vst v28  }
0x256: {  	v28 =	vor.u32 v17, v23;
	v23 =	vor.u32 v17, v24;
	v24 =	vld.idx.msk [tilespmem:v29+s14+$0x0], $0xffff;
	[tilespmem:s25+$0x150] =	vst v16  }
0x257: {  	p0 =	por $0x0, $0x0;
	v15 =	vor.u32 v12, v30;
	v22 =	vor.u32 v30, v9;
	v16 =	vor.u32 v30, v13;
	v25 =	vld.idx.msk [tilespmem:v25+s14+$0x0], $0xffff  }
0x258: {  	_ =	sdelay $0x3  }
0x259: {  	s26 =	simm.s32 $0x8;
	v19 =	vld.idx.msk [tilespmem:v19+s14+$0x0], $0xffff;
	[tilespmem:s25+$0x50] =	vst v18  }
0x25a: {  	v18 =	vld.idx.msk [tilespmem:v20+s14+$0x0], $0xffff;
	s28 =	sand.u32 $0x18, s26;
	[tilespmem:s25+$0xE0] =	vst v27  }
0x25b: {  	v14 =	vor.u32 v17, v14;
	v29 =	vor.u32 v17, v9;
	v21 =	vld.idx.msk [tilespmem:v21+s14+$0x0], $0xffff;
	v20 =	vmov s28;
	[tilespmem:s25+$0x120] =	vst v26  }
0x25c: {  	v30 =	vor.u32 v17, v11;
	s0 =	simm.s32 $0x10;
	v22 =	vld.idx.msk [tilespmem:v22+s14+$0x0], $0xffff;
	v27 =	vor.u32 v17, v13;
	v9 =	vshrl.u32 v20, $0x3;
	[tilespmem:s25+$0x1A0] =	vst v24  }
0x25d: {  	s29 =	sand.u32 $0xFFFFFFC0, s0;
	v20 =	vor.u32 v17, v10;
	v13 =	vld.idx.msk [tilespmem:v28+s14+$0x0], $0xffff;
	v26 =	vshll.u32 v9, v8;
	[tilespmem:s25+$0x160] =	vst v25  }
0x25e: {  	v17 =	vor.u32 v12, v17;
	v9 =	vmov s29;
	v10 =	vor.u32 $0x1, v26;
	v23 =	vld.idx.msk [tilespmem:v23+s14+$0x0], $0xffff;
	[tilespmem:s25+$0x10] =	vst v19  }
0x25f: {  	v11 =	vshll.u32 v9, $0x5;
	v25 =	vor.u32 $0x2, v26;
	[tilespmem:s25+$0x1D0] =	vst v18;
	v9 =	vbroadcast v10, $0x0;
	v15 =	vld.idx.msk [tilespmem:v15+s14+$0x0], $0xffff  }
0x260: {  	v24 =	vor.u32 $0x3, v26;
	v19 =	vld.idx.msk [tilespmem:v14+s14+$0x0], $0xffff;
	[tilespmem:s25+$0xA0] =	vst v21;
	v28 =	vor.u32 v0, v11;
	v10 =	vbroadcast v25, $0x0  }
0x261: {  	v14 =	vor.u32 $0x4, v26;
	v11 =	vbroadcast v24, $0x0;
	v24 =	vld.idx.msk [tilespmem:v30+s14+$0x0], $0xffff;
	[tilespmem:s25+$0x60] =	vst v22;
	v18 =	vor.u32 v28, v9  }
0x262: {  	v30 =	vbroadcast v14, $0x0;
	v14 =	vor.u32 $0x6, v26;
	v16 =	vld.idx.msk [tilespmem:v16+s14+$0x0], $0xffff;
	v21 =	vor.u32 v28, v10;
	[tilespmem:s25+$0x130] =	vst v13  }
0x263: {  	v25 =	vor.u32 $0x5, v26;
	v14 =	vbroadcast v14, $0x0;
	v29 =	vld.idx.msk [tilespmem:v29+s14+$0x0], $0xffff;
	v22 =	vor.u32 v28, v11;
	[tilespmem:s25+$0x170] =	vst v23  }
0x264: {  	v31 =	vbroadcast v25, $0x0;
	v32 =	vor.u32 v28, v30;
	v20 =	vld.idx.msk [tilespmem:v20+s14+$0x0], $0xffff;
	[tilespmem:s25+$0x20] =	vst v15  }
0x265: {  	s0 =	sor.u32 $0x10, s29;
	v12 =	vbroadcast v26, $0x0;
	v25 =	vor.u32 $0x7, v26;
	v33 =	vor.u32 v28, v14;
	[tilespmem:s25+$0x1B0] =	vst v19;
	v35 =	vld.idx.msk [tilespmem:v17+s14+$0x0], $0xffff  }
0x266: {  	v13 =	vbroadcast v25, $0x0;
	v25 =	vmov s0;
	v23 =	vor.u32 v28, v31;
	[tilespmem:s25+$0xF0] =	vst v24;
	v18 =	vld.idx.msk [tilespmem:v18+s14+$0x0], $0xffff  }
0x267: {  	s30 =	simm.s32 $0x200;
	v19 =	vshll.u32 v25, $0x5;
	v24 =	vor.u32 v12, v28;
	[tilespmem:s25+$0x1E0] =	vst v16;
	v21 =	vld.idx.msk [tilespmem:v21+s14+$0x0], $0xffff  }
0x268: {  	s28 =	sshll.u32 s28, $0x6;
	s0 =	sand.u32 $0x3FFFF800, s30;
	v25 =	vor.u32 v28, v13;
	v15 =	vor.u32 v0, v19;
	[tilespmem:s25+$0x70] =	vst v29;
	v19 =	vld.idx.msk [tilespmem:v22+s14+$0x0], $0xffff  }
0x269: {  	s0 =	sor.u32 s28, s0;
	v16 =	vor.u32 v15, v10;
	v22 =	vld.idx.msk [tilespmem:v32+s14+$0x0], $0xffff;
	[tilespmem:s25+$0xB0] =	vst v20  }
0x26a: {  	s28 =	sadd.s32 $0x17E80, s0;
	v26 =	vor.u32 v15, v11;
	v29 =	vld.idx.msk [tilespmem:v33+s14+$0x0], $0xffff;
	[tilespmem:s25+$0x30] =	vst v35  }
0x26b: {  	v28 =	vor.u32 v15, v30;
	v23 =	vld.idx.msk [tilespmem:v23+s14+$0x0], $0xffff;
	[tilespmem:s28+$0x40] =	vst v18  }
0x26c: {  	s30 =	sor.u32 $0x20, s29;
	v20 =	vor.u32 v15, v31;
	v24 =	vld.idx.msk [tilespmem:v24+s14+$0x0], $0xffff;
	[tilespmem:s28+$0x80] =	vst v21  }
0x26d: {  	v18 =	vld.idx.msk [tilespmem:v25+s14+$0x0], $0xffff;
	v25 =	vor.u32 v15, v14;
	v21 =	vmov s30;
	[tilespmem:s28+$0xC0] =	vst v19  }
0x26e: {  	[tilespmem:s28+$0x100] =	vst v22;
	v16 =	vld.idx.msk [tilespmem:v16+s14+$0x0], $0xffff;
	v19 =	vshll.u32 v21, $0x5  }
0x26f: {  	v21 =	vor.u32 v15, v9;
	v26 =	vld.idx.msk [tilespmem:v26+s14+$0x0], $0xffff;
	[tilespmem:s28+$0x180] =	vst v29;
	v62 =	vor.u32 v0, v19  }
0x270: {  	v22 =	vld.idx.msk [tilespmem:v28+s14+$0x0], $0xffff;
	[tilespmem:s28+$0x140] =	vst v23;
	v23 =	vor.u32 v62, v11  }
0x271: {  	v28 =	vld.idx.msk [tilespmem:v20+s14+$0x0], $0xffff;
	v63 =	vor.u32 v62, v30;
	[tilespmem:s0+$0x17E80] =	vst v24  }
0x272: {  	v34 =	vld.idx.msk [tilespmem:v25+s14+$0x0], $0xffff;
	[tilespmem:s28+$0x1C0] =	vst v18;
	v25 =	vor.u32 v62, v31  }
0x273: {  	p1 =	por $0x1, $0x1;
	v29 =	vld.idx.msk [tilespmem:v27+s14+$0x0], $0xffff;
	v24 =	vor.u32 v62, v14;
	[tilespmem:s28+$0x90] =	vst v16  }
.Ltmp10:
0x274: {  	s31 =	sor.u32 $0x30, s29;
	v19 =	vor.u32 v12, v15;
	v18 =	vld.idx.msk [tilespmem:v21+s14+$0x0], $0xffff;
	[tilespmem:s28+$0xD0] =	vst v26;
	(pc) =	sbr.rel @!p1 .LBB2_19-.Ltmp10, $4  }
0x275: {  	v20 =	vor.u32 v15, v13;
	v16 =	vmov s31;
	[tilespmem:s28+$0x110] =	vst v22;
	v27 =	vld.idx.msk [tilespmem:v23+s14+$0x0], $0xffff  }
0x276: {  	v15 =	vor.u32 v12, v62;
	v21 =	vor.u32 v62, v10;
	v17 =	vshll.u32 v16, $0x5;
	v26 =	vld.idx.msk [tilespmem:v63+s14+$0x0], $0xffff;
	[tilespmem:s28+$0x150] =	vst v28  }
0x277: {  	v22 =	vor.u32 v62, v9;
	v17 =	vor.u32 v0, v17;
	v25 =	vld.idx.msk [tilespmem:v25+s14+$0x0], $0xffff;
	[tilespmem:s28+$0x190] =	vst v34  }
0x278: {  	p0 =	por $0x1, $0x1;
	v16 =	vor.u32 v62, v13;
	v28 =	vor.u32 v17, v30;
	v23 =	vor.u32 v17, v31;
	v24 =	vld.idx.msk [tilespmem:v24+s14+$0x0], $0xffff  }
.LBB2_18:
0x279: {  	s26 =	sadd.s32 $0x8, s26;
	v19 =	vld.idx.msk [tilespmem:v19+s14+$0x0], $0xffff;
	[tilespmem:s28+$0x50] =	vst v18;
	v30 =	vor.u32 v17, v9;
	v31 =	vor.u32 v17, v11  }
0x27a: {  	v32 =	vor.u32 v17, v10;
	v10 =	vor.u32 v17, v14;
	s0 =	sand.u32 $0x18, s26;
	s29 =	sshll.u32 s26, $0x1;
	s30 =	sshll.u32 s26, $0x6;
	v14 =	vld.idx.msk [tilespmem:v20+s14+$0x0], $0xffff;
	[tilespmem:s25+$0x1F0] =	vst v29  }
0x27b: {  	v18 =	vor.u32 v12, v17;
	v17 =	vor.u32 v17, v13;
	v9 =	vmov s0;
	s25 =	sand.u32 $0xFFFFFFC0, s29;
	s29 =	sand.u32 $0x3FFFF800, s30;
	s0 =	sshll.u32 s0, $0x6;
	v12 =	vld.idx.msk [tilespmem:v21+s14+$0x0], $0xffff;
	[tilespmem:s28+$0xE0] =	vst v27  }
0x27c: {  	v11 =	vmov s25;
	v9 =	vshrl.u32 v9, $0x3;
	s29 =	sor.u32 s0, s29;
	s0 =	sor.u32 $0x10, s25;
	s30 =	sor.u32 $0x20, s25;
	v13 =	vld.idx.msk [tilespmem:v22+s14+$0x0], $0xffff;
	[tilespmem:s28+$0x120] =	vst v26  }
0x27d: {  	p1 =	slt.u32 s26, $0x198;
	v11 =	vshll.u32 v11, $0x5;
	v20 =	vshll.u32 v9, v8;
	v21 =	vmov s0;
	s0 =	sor.u32 $0x30, s25;
	v22 =	vld.idx.msk [tilespmem:v28+s14+$0x0], $0xffff;
	[tilespmem:s28+$0x160] =	vst v25;
	s25 =	smov.u32 s28  }
0x27e: {  	v9 =	vor.u32 $0x1, v20;
	v25 =	vor.u32 $0x2, v20;
	v26 =	vor.u32 $0x5, v20;
	v23 =	vld.idx.msk [tilespmem:v23+s14+$0x0], $0xffff;
	[tilespmem:s25+$0x1A0] =	vst v24  }
0x27f: {  	v24 =	vor.u32 $0x3, v20;
	v9 =	vbroadcast v9, $0x0;
	v33 =	vbroadcast v26, $0x0;
	[tilespmem:s25+$0x10] =	vst v19;
	v19 =	vld.idx.msk [tilespmem:v10+s14+$0x0], $0xffff  }
0x280: {  	v26 =	vor.u32 v0, v11;
	v10 =	vbroadcast v25, $0x0;
	v11 =	vbroadcast v24, $0x0;
	v24 =	vld.idx.msk [tilespmem:v31+s14+$0x0], $0xffff;
	[tilespmem:s25+$0x1D0] =	vst v14  }
0x281: {  	v27 =	vor.u32 $0x6, v20;
	v14 =	vor.u32 $0x4, v20;
	v25 =	vor.u32 v26, v9;
	v15 =	vld.idx.msk [tilespmem:v15+s14+$0x0], $0xffff;
	[tilespmem:s25+$0xA0] =	vst v12  }
0x282: {  	v28 =	vor.u32 v26, v10;
	v31 =	vbroadcast v14, $0x0;
	v14 =	vbroadcast v27, $0x0;
	[tilespmem:s25+$0x60] =	vst v13;
	v16 =	vld.idx.msk [tilespmem:v16+s14+$0x0], $0xffff  }
0x283: {  	v21 =	vshll.u32 v21, $0x5;
	v27 =	vor.u32 v26, v11;
	v12 =	vor.u32 $0x7, v20;
	v29 =	vld.idx.msk [tilespmem:v30+s14+$0x0], $0xffff;
	[tilespmem:s25+$0x130] =	vst v22  }
0x284: {  	v13 =	vbroadcast v12, $0x0;
	v22 =	vor.u32 v26, v31;
	v30 =	vor.u32 v26, v14;
	v32 =	vld.idx.msk [tilespmem:v32+s14+$0x0], $0xffff;
	[tilespmem:s25+$0x170] =	vst v23  }
0x285: {  	v12 =	vbroadcast v20, $0x0;
	v20 =	vmov s30;
	v23 =	vor.u32 v26, v33;
	[tilespmem:s25+$0x1B0] =	vst v19  }
0x286: {  	v34 =	vshll.u32 v20, $0x5;
	v19 =	vmov s0;
	v20 =	vld.idx.msk [tilespmem:v25+s14+$0x0], $0xffff;
	v25 =	vor.u32 v26, v13;
	[tilespmem:s25+$0xF0] =	vst v24  }
0x287: {  	v24 =	vor.u32 v12, v26;
	v35 =	vshll.u32 v19, $0x5;
	v26 =	vld.idx.msk [tilespmem:v28+s14+$0x0], $0xffff;
	[tilespmem:s25+$0x20] =	vst v15  }
0x288: {  	v15 =	vor.u32 v0, v21;
	v21 =	vld.idx.msk [tilespmem:v27+s14+$0x0], $0xffff;
	[tilespmem:s25+$0x1E0] =	vst v16  }
0x289: {  	v16 =	vor.u32 v15, v10;
	v27 =	vor.u32 v15, v33;
	v28 =	vor.u32 v15, v14;
	v22 =	vld.idx.msk [tilespmem:v22+s14+$0x0], $0xffff  }
0x28a: {  	v36 =	vor.u32 v15, v9;
	v37 =	vor.u32 v15, v11;
	v23 =	vld.idx.msk [tilespmem:v23+s14+$0x0], $0xffff;
	[tilespmem:s25+$0x70] =	vst v29  }
0x28b: {  	s28 =	sadd.s32 $0x17E80, s29;
	v19 =	vor.u32 v12, v15;
	v29 =	vor.u32 v15, v31;
	v30 =	vld.idx.msk [tilespmem:v30+s14+$0x0], $0xffff;
	[tilespmem:s25+$0xB0] =	vst v32  }
0x28c: {  	[tilespmem:s28+$0x40] =	vst v20;
	v25 =	vld.idx.msk [tilespmem:v25+s14+$0x0], $0xffff  }
0x28d: {  	v24 =	vld.idx.msk [tilespmem:v24+s14+$0x0], $0xffff;
	[tilespmem:s28+$0x80] =	vst v26  }
0x28e: {  	v20 =	vor.u32 v15, v13;
	v16 =	vld.idx.msk [tilespmem:v16+s14+$0x0], $0xffff;
	[tilespmem:s28+$0xC0] =	vst v21  }
0x28f: {  	v26 =	vld.idx.msk [tilespmem:v37+s14+$0x0], $0xffff;
	[tilespmem:s28+$0x100] =	vst v22  }
0x290: {  	v32 =	vor.u32 v0, v34;
	v34 =	vld.idx.msk [tilespmem:v29+s14+$0x0], $0xffff;
	[tilespmem:s28+$0x140] =	vst v23  }
0x291: {  	v38 =	vor.u32 v32, v33;
	v23 =	vor.u32 v32, v11;
	v37 =	vld.idx.msk [tilespmem:v27+s14+$0x0], $0xffff;
	[tilespmem:s28+$0x180] =	vst v30  }
0x292: {  	v21 =	vor.u32 v32, v10;
	v30 =	vor.u32 v32, v31;
	v28 =	vld.idx.msk [tilespmem:v28+s14+$0x0], $0xffff;
	[tilespmem:s28+$0x1C0] =	vst v25  }
0x293: {  	v15 =	vor.u32 v12, v32;
	v22 =	vor.u32 v32, v9;
	[tilespmem:s29+$0x17E80] =	vst v24;
	v39 =	vld.idx.msk [tilespmem:v18+s14+$0x0], $0xffff  }
0x294: {  	v24 =	vor.u32 v32, v14;
	v18 =	vld.idx.msk [tilespmem:v36+s14+$0x0], $0xffff;
	[tilespmem:s28+$0x90] =	vst v16;
	v16 =	vor.u32 v32, v13  }
.Ltmp11:
0x295: {  	[tilespmem:s28+$0xD0] =	vst v26;
	v29 =	vld.idx.msk [tilespmem:v17+s14+$0x0], $0xffff;
	(pc) =	sbr.rel @p1 .LBB2_18-.Ltmp11, $4  }
0x296: {  	v27 =	vld.idx.msk [tilespmem:v23+s14+$0x0], $0xffff;
	[tilespmem:s28+$0x110] =	vst v34  }
0x297: {  	v26 =	vld.idx.msk [tilespmem:v30+s14+$0x0], $0xffff;
	[tilespmem:s28+$0x150] =	vst v37  }
0x298: {  	v17 =	vor.u32 v0, v35;
	v25 =	vld.idx.msk [tilespmem:v38+s14+$0x0], $0xffff;
	[tilespmem:s28+$0x190] =	vst v28  }
0x299: {  	v23 =	vor.u32 v17, v33;
	v28 =	vor.u32 v17, v31;
	v24 =	vld.idx.msk [tilespmem:v24+s14+$0x0], $0xffff;
	[tilespmem:s25+$0x30] =	vst v39  }
.LBB2_19:
0x29a: {  	_ =	sdelay $0x2  }
0x29b: {  	[tilespmem:s28+$0x50] =	vst v18  }
0x29c: {  	v59 =	vld.idx.msk [tilespmem:v19+s14+$0x0], $0xffff;
	[tilespmem:s25+$0x1F0] =	vst @p0 v29  }
0x29d: {  	v60 =	vld.idx.msk [tilespmem:v20+s14+$0x0], $0xffff;
	[tilespmem:s28+$0xE0] =	vst v27  }
0x29e: {  	v61 =	vld.idx.msk [tilespmem:v21+s14+$0x0], $0xffff;
	[tilespmem:s28+$0x120] =	vst v26  }
0x29f: {  	v14 =	vor.u32 v17, v14;
	v62 =	vld.idx.msk [tilespmem:v22+s14+$0x0], $0xffff;
	[tilespmem:s28+$0x160] =	vst v25  }
0x2a0: {  	v11 =	vor.u32 v17, v11;
	v63 =	vld.idx.msk [tilespmem:v28+s14+$0x0], $0xffff;
	[tilespmem:s28+$0x1A0] =	vst v24  }
0x2a1: {  	v10 =	vor.u32 v17, v10;
	v23 =	vld.idx.msk [tilespmem:v23+s14+$0x0], $0xffff;
	[tilespmem:s28+$0x10] =	vst v59  }
0x2a2: {  	v9 =	vor.u32 v17, v9;
	[tilespmem:s28+$0x1D0] =	vst v60;
	v15 =	vld.idx.msk [tilespmem:v15+s14+$0x0], $0xffff  }
0x2a3: {  	v12 =	vor.u32 v12, v17;
	[tilespmem:s28+$0xA0] =	vst v61;
	v16 =	vld.idx.msk [tilespmem:v16+s14+$0x0], $0xffff  }
0x2a4: {  	v13 =	vor.u32 v17, v13;
	v14 =	vld.idx.msk [tilespmem:v14+s14+$0x0], $0xffff;
	[tilespmem:s28+$0x60] =	vst v62  }
0x2a5: {  	v11 =	vld.idx.msk [tilespmem:v11+s14+$0x0], $0xffff;
	[tilespmem:s28+$0x130] =	vst v63  }
0x2a6: {  	v10 =	vld.idx.msk [tilespmem:v10+s14+$0x0], $0xffff;
	[tilespmem:s28+$0x170] =	vst v23  }
0x2a7: {  	v9 =	vld.idx.msk [tilespmem:v9+s14+$0x0], $0xffff;
	[tilespmem:s28+$0x20] =	vst v15  }
0x2a8: {  	[tilespmem:s28+$0x1E0] =	vst v16;
	v12 =	vld.idx.msk [tilespmem:v12+s14+$0x0], $0xffff  }
0x2a9: {  	[tilespmem:s28+$0x1B0] =	vst v14;
	v13 =	vld.idx.msk [tilespmem:v13+s14+$0x0], $0xffff  }
0x2aa: {  	[tilespmem:s28+$0xF0] =	vst v11  }
0x2ab: {  	[tilespmem:s28+$0xB0] =	vst v10  }
0x2ac: {  	s0 =	sadd.s32 s24, s7;
	[tilespmem:s28+$0x70] =	vst v9  }
0x2ad: {  	s25 =	simm.s32 $0x17E80;
	s23 =	sadd.s32 s23, s0;
	[tilespmem:s28+$0x30] =	vst v12  }
0x2ae: {  	s26 =	simm.s32 $0x18080;
	s30 =	simm.s32 $0x18280;
	s0 =	sadd.s32 $0x0, s23;
	[tilespmem:s28+$0x1F0] =	vst v13  }
0x2af: {  	[hbm4b:s0+s15] =	stream.strided.scatter [tilespmem:s25], [sflag:$0x4], $0x200, s16, s15, $0x38;
	[tilespmem:$0x1E680] =	vst v63  }
0x2b0: {  	s24 =	simm.s32 $0x10000;
	s29 =	sadd.s32 $0x4000, s0;
	s31 =	sadd.s32 $0x8000, s0  }
0x2b1: {  	[hbm4b:s29+s15] =	stream.strided.scatter [tilespmem:s26], [sflag:$0x4], $0x200, s16, s15, $0x38;
	[tilespmem:$0x1E680] =	vst v63  }
0x2b2: {  	s28 =	sadd.s32 $0xC000, s0;
	s25 =	simm.s32 $0x18680;
	s26 =	simm.s32 $0x18480  }
0x2b3: {  	[hbm4b:s31+s15] =	stream.strided.scatter [tilespmem:s30], [sflag:$0x4], $0x200, s16, s15, $0x38;
	[tilespmem:$0x1E680] =	vst v63  }
.LBB2_20:
0x2b4: {  	[hbm4b:s28+s15] =	stream.strided.scatter [tilespmem:s26], [sflag:$0x4], $0x200, s16, s15, $0x38;
	[tilespmem:$0x1E680] =	vst v63  }
0x2b5: {  	s0 =	sadd.s32 s24, s23;
	p0 =	sne.s32 s24, $0xC0000;
	s24 =	sadd.s32 $0x10000, s24  }
0x2b6: {  	[hbm4b:s0+s15] =	stream.strided.scatter [tilespmem:s25], [sflag:$0x4], $0x200, s16, s15, $0x38;
	[tilespmem:$0x1E680] =	vst v63  }
.Ltmp12:
0x2b7: {  	s26 =	sadd.s32 $0x200, s25;
	s28 =	sadd.s32 $0x4000, s0;
	(pc) =	sbr.rel @p0 .LBB2_20-.Ltmp12, $4  }
0x2b8: {  	[hbm4b:s28+s15] =	stream.strided.scatter [tilespmem:s26], [sflag:$0x4], $0x200, s16, s15, $0x38;
	[tilespmem:$0x1E680] =	vst v63  }
0x2b9: {  	s26 =	sadd.s32 $0x400, s25;
	s28 =	sadd.s32 $0x8000, s0  }
0x2ba: {  	[hbm4b:s28+s15] =	stream.strided.scatter [tilespmem:s26], [sflag:$0x4], $0x200, s16, s15, $0x38;
	[tilespmem:$0x1E680] =	vst v63  }
0x2bb: {  	s26 =	sadd.s32 $0x600, s25;
	s28 =	sadd.s32 $0xC000, s0;
	s25 =	sadd.s32 $0x800, s25  }
0x2bc: {  	s22 =	sadd.s32 $0x1, s22  }
0x2bd: {  	p0 =	sne.s32 s22, $0x8  }
.Ltmp13:
0x2be: {  	_ = 	snop;
	(pc) =	sbr.rel @p0 .LBB2_4-.Ltmp13, $4  }
.Ltmp14:
0x2bf: {  	_ = 	snop;
	(pc) =	sbr.rel @!p0 .LBB2_22-.Ltmp14, $4  }
0x2c0: {  	_ = 	snop  }
0x2c1: {  	[hbm4b:s28+s15] =	stream.strided.scatter [tilespmem:s26], [sflag:$0x4], $0x200, s16, s15, $0x38;
	[tilespmem:$0x1E680] =	vst v63  }
0x2c2: {  	s21 =	sadd.s32 $0x40, s21  }
0x2c3: {  	_ = 	snop  }
.LBB2_16:
.Ltmp15:
0x2c4: {  	(pc) =	sbr.rel .LBB2_19-.Ltmp15, $2  }
0x2c5: {  	_ =	sdelay $0x2  }
0x2c6: {  	s28 =	smov.u32 s25  }
.LBB2_23:
0x2c7: {  	_ =	sfence.sel $0x180000  }
0x2c8: {  	[bflag:$0x0] =	sbarrier.arrive $0xFFFF  }
0x2c9: {  	_ =	strace $0x9000004A  }
0x2ca: {  	[bflag:$0x2] =	sbarrier.arrive $0xFFFF  }
0x2cb: {  	p0 =	sne.s32 s1, $0x0;
	s0 =	rddreg [dreg:$0x2]  }
0x2cc: {  	s0 =	sadd.s32 @!p0 $0x100000, s0  }
0x2cd: {  	[sflag:s0] =	ssyncadd.tile.s32 @!p0 $0x1;
	_ =	shalt  }
.Lfunc_end2:
_tile_overlayer_lowered:
.L_overlay_start_2:
0x2ce: {  	(tag) =	ssettag $0x2  }
0x2cf: {  	s0 =	rddreg [dreg:$0x0];
	s2 =	stileid.u32  }
0x2d0: {  	s1 =	rddreg [dreg:$0x1];
	p0 =	sne.s32 s2, $0x0  }
0x2d1: {  	s3 =	rddreg [dreg:$0x2];
	[bflag:$0x3] =	sbarrier.arrive $0xFFFF;
	s2 =	simm.s32 @!p0 $0x1C05  }
0x2d2: {  	[timem:s3], [sflag:s2] =	dma.local @!p0 [hbm:s0], s1  }
0x2d3: {  	s0 =	simm.s32 @!p0 $0x5  }
0x2d4: {  	_ =	swait.ge @!p0 [sflag:s0], s1  }
0x2d5: {  	s1 =	ssub.s32 @!p0 $0x0, s1;
	[sflag:s0] =	ssyncset.done @!p0 $0x0  }
0x2d6: {  	[sflag:s0] =	ssyncadd.s32 @!p0 s1  }
0x2d7: {  	[bflag:$0x3] =	sbarrier.arrive $0xFFFF  }
0x2d8: {  	_ =	shalt  }

</sc_bundles>
